<compile_context>
chip_gen: v7x
topology: tpu7x:2x2x1
jax: 0.10.2.dev20260603
libtpu: 0.0.44.dev20260713+nightly
codegen_flags: <defaults>
</compile_context>

<pallas_src>
import functools

import numpy as np
import jax
import jax.numpy as jnp
from jax import lax
from jax.experimental import pallas as pl
from jax.experimental.pallas import tpu as pltpu
from jax.experimental.pallas import tpu_sc as plsc

B, C, H, W = 2, 256, 50, 50
A = 3
STRIDE = 16
IMG = float(H * STRIDE)
PRE_NMS = 2000
POST_NMS = 1000
NMS_THRESH = 0.7
BBOX_CLIP = float(np.log(1000.0 / 16.0))
NPAD = 2048
BLK = 128
NBLK = NPAD // BLK


def _make_anchors():
    size = 128.0
    ratios = np.array([0.5, 1.0, 2.0], dtype=np.float64)
    h_r = np.sqrt(ratios)
    w_r = 1.0 / h_r
    ws = (w_r * size) / 2.0
    hs = (h_r * size) / 2.0
    base = np.stack([-ws, -hs, ws, hs], axis=1)
    sx = (np.arange(W, dtype=np.float64) + 0.5) * STRIDE
    sy = (np.arange(H, dtype=np.float64) + 0.5) * STRIDE
    yy, xx = np.meshgrid(sy, sx, indexing='ij')
    shifts = np.stack([xx.ravel(), yy.ravel(), xx.ravel(), yy.ravel()], axis=1)
    anchors = (shifts[:, None, :] + base[None, :, :]).reshape(-1, 4)
    return anchors.astype(np.float32)


_ANCHORS = _make_anchors()


def _nms_kernel(boxes_ref, bt_ref, keep_ref, sup_scr):
    boxes = boxes_ref[0]
    bt = bt_ref[0]
    x0r = bt[0:1]
    y0r = bt[1:2]
    x1r = bt[2:3]
    y1r = bt[3:4]
    area_r = (x1r - x0r) * (y1r - y0r)

    for b in range(NBLK):
        lo = b * BLK
        wid = NPAD - lo
        blk = boxes[lo:lo + BLK]
        x0c = blk[:, 0:1]
        y0c = blk[:, 1:2]
        x1c = blk[:, 2:3]
        y1c = blk[:, 3:4]
        area_c = (x1c - x0c) * (y1c - y0c)
        x0t = x0r[:, lo:]
        y0t = y0r[:, lo:]
        x1t = x1r[:, lo:]
        y1t = y1r[:, lo:]
        area_t = area_r[:, lo:]
        iw = jnp.maximum(jnp.minimum(x1c, x1t) - jnp.maximum(x0c, x0t), 0.0)
        ih = jnp.maximum(jnp.minimum(y1c, y1t) - jnp.maximum(y0c, y0t), 0.0)
        inter = iw * ih
        union = area_c + area_t - inter
        iou = inter / jnp.maximum(union, 1e-9)
        colt = jax.lax.broadcasted_iota(jnp.int32, (1, wid), 1)
        rowi = jax.lax.broadcasted_iota(jnp.int32, (BLK, 1), 0)
        tri = colt > rowi
        stripe = jnp.where((iou > NMS_THRESH) & tri, 1.0, 0.0)
        sup_scr[lo:lo + BLK, lo:] = stripe.astype(jnp.bfloat16)
        if lo > 0:
            sup_scr[lo:lo + BLK, :lo] = jnp.zeros((BLK, lo), jnp.bfloat16)

    sup = sup_scr[...]

    def cond(carry):
        return carry[1]

    def body(carry):
        keep, _ = carry
        count = jnp.dot(keep.astype(jnp.bfloat16), sup,
                        preferred_element_type=jnp.float32)
        new = jnp.where(count > 0.0, 0.0, 1.0)
        changed = jnp.max(jnp.abs(new - keep)) > 0.0
        return new, changed

    keep0 = jnp.ones((1, NPAD), dtype=jnp.float32)
    keep, _ = jax.lax.while_loop(cond, body, (keep0, True))
    keep_ref[0] = keep


def _run_nms(top_boxes):
    pad = jnp.zeros((B, NPAD - PRE_NMS, 4), dtype=jnp.float32)
    bx = jnp.concatenate([top_boxes, pad], axis=1)
    bt = jnp.transpose(bx, (0, 2, 1))
    keep = pl.pallas_call(
        _nms_kernel,
        out_shape=jax.ShapeDtypeStruct((B, 1, NPAD), jnp.float32),
        grid=(B,),
        in_specs=[
            pl.BlockSpec((1, NPAD, 4), lambda b: (b, 0, 0)),
            pl.BlockSpec((1, 4, NPAD), lambda b: (b, 0, 0)),
        ],
        out_specs=pl.BlockSpec((1, 1, NPAD), lambda b: (b, 0, 0)),
        scratch_shapes=[pltpu.VMEM((NPAD, NPAD), jnp.bfloat16)],
    )(bx, bt)
    return keep[:, 0, :PRE_NMS]


_VPAD = 7680
_GB = 4096
_GD = 128


def _sc_gather_boxes(boxes, idx):
    info = plsc.get_sparse_core_info()
    nw = info.num_cores * info.num_subcores
    b_per_w = _GB // nw
    table = jnp.pad(boxes, ((0, 0), (0, _VPAD - boxes.shape[1]),
                            (0, _GD - 4))).reshape(B * _VPAD, _GD)
    offs = (jnp.arange(B, dtype=jnp.int32) * _VPAD)[:, None]
    idx_flat = jnp.pad(idx.astype(jnp.int32) + offs,
                       ((0, 0), (0, NPAD - PRE_NMS))).reshape(_GB)

    mesh = plsc.VectorSubcoreMesh(core_axis_name="c", subcore_axis_name="s")

    @functools.partial(
        pl.kernel, mesh=mesh,
        out_type=jax.ShapeDtypeStruct((_GB, _GD), jnp.float32),
        scratch_types=[
            pltpu.VMEM((b_per_w,), jnp.int32),
            pltpu.VMEM((b_per_w, _GD), jnp.float32),
            pltpu.SemaphoreType.DMA,
        ],
    )
    def gather_k(table_hbm, idx_hbm, out_hbm, idx_v, rows_v, sem):
        wid = lax.axis_index("s") * info.num_cores + lax.axis_index("c")
        base = wid * b_per_w
        pltpu.sync_copy(idx_hbm.at[pl.ds(base, b_per_w)], idx_v)
        pltpu.async_copy(table_hbm.at[idx_v], rows_v, sem).wait()
        pltpu.sync_copy(rows_v, out_hbm.at[pl.ds(base, b_per_w)])

    out = gather_k(table, idx_flat)
    return out.reshape(B, NPAD, _GD)[:, :PRE_NMS, :4]


def _conv2d(x, w, b, pad):
    out = jax.lax.conv_general_dilated(
        x, w, (1, 1), [(pad, pad), (pad, pad)],
        dimension_numbers=('NCHW', 'OIHW', 'NCHW'))
    return out + b[None, :, None, None]


def _decode(deltas, anchors):
    wa = anchors[:, 2] - anchors[:, 0]
    ha = anchors[:, 3] - anchors[:, 1]
    cxa = anchors[:, 0] + 0.5 * wa
    cya = anchors[:, 1] + 0.5 * ha
    dx = deltas[..., 0]
    dy = deltas[..., 1]
    dw = jnp.minimum(deltas[..., 2], BBOX_CLIP)
    dh = jnp.minimum(deltas[..., 3], BBOX_CLIP)
    cx = dx * wa + cxa
    cy = dy * ha + cya
    w = wa * jnp.exp(dw)
    h = ha * jnp.exp(dh)
    boxes = jnp.stack([cx - 0.5 * w, cy - 0.5 * h, cx + 0.5 * w, cy + 0.5 * h],
                      axis=-1)
    return jnp.clip(boxes, 0.0, IMG)


def kernel(features, conv_w, conv_b, cls_w, cls_b, bbox_w, bbox_b):
    t = jax.nn.relu(_conv2d(features, conv_w, conv_b, 1))
    logits = _conv2d(t, cls_w, cls_b, 0)
    deltas = _conv2d(t, bbox_w, bbox_b, 0)
    logits = jnp.transpose(logits, (0, 2, 3, 1)).reshape(B, -1)
    deltas = deltas.reshape(B, A, 4, H, W)
    deltas = jnp.transpose(deltas, (0, 3, 4, 1, 2)).reshape(B, -1, 4)
    scores = jax.nn.sigmoid(logits)
    boxes = _decode(deltas, _ANCHORS)

    top_scores, idx = jax.lax.top_k(scores, PRE_NMS)
    top_boxes = _sc_gather_boxes(boxes, idx)

    keep = _run_nms(top_boxes)

    sel = jnp.where(keep > 0.0, top_scores, -jnp.inf)
    out_scores, oidx = jax.lax.top_k(sel, POST_NMS)
    out_boxes = jnp.take_along_axis(top_boxes, oidx[..., None], axis=1)
    out_scores = jnp.where(jnp.isfinite(out_scores), out_scores, 0.0)
    return jnp.concatenate([out_boxes, out_scores[..., None]], axis=-1)

# --- scband reference (transcript-rebuilt; emitter-appended) ---
"""Pipeline reference for scband-faster-rcnn-84679575208245 (READ-ONLY COPY).

The authoritative reference and input builder live on the scoring server;
editing this copy changes nothing except your own understanding.
"""

import jax, jax.numpy as jnp
import numpy as np

B, C, H, W = 2, 256, 50, 50
A = 3
STRIDE = 16
IMG = float(H * STRIDE)
PRE_NMS = 2000
POST_NMS = 1000
NMS_THRESH = 0.7
BBOX_CLIP = float(np.log(1000.0 / 16.0))


def make_anchors():
    size = 128.0
    ratios = np.array([0.5, 1.0, 2.0], dtype=np.float64)
    h_r = np.sqrt(ratios)
    w_r = 1.0 / h_r
    ws = (w_r * size) / 2.0
    hs = (h_r * size) / 2.0
    base = np.stack([-ws, -hs, ws, hs], axis=1)
    sx = (np.arange(W, dtype=np.float64) + 0.5) * STRIDE
    sy = (np.arange(H, dtype=np.float64) + 0.5) * STRIDE
    yy, xx = np.meshgrid(sy, sx, indexing='ij')
    shifts = np.stack([xx.ravel(), yy.ravel(), xx.ravel(), yy.ravel()], axis=1)
    anchors = (shifts[:, None, :] + base[None, :, :]).reshape(-1, 4)
    return jnp.asarray(anchors, dtype=jnp.float32)

ANCHORS = make_anchors()


def conv2d(x, w, b, pad):
    out = jax.lax.conv_general_dilated(x, w, (1, 1), [(pad, pad), (pad, pad)], dimension_numbers=('NCHW', 'OIHW', 'NCHW'))
    return out + b[None, :, None, None]


def decode(deltas, anchors):
    wa = anchors[:, 2] - anchors[:, 0]
    ha = anchors[:, 3] - anchors[:, 1]
    cxa = anchors[:, 0] + 0.5 * wa
    cya = anchors[:, 1] + 0.5 * ha
    dx = deltas[..., 0]
    dy = deltas[..., 1]
    dw = jnp.minimum(deltas[..., 2], BBOX_CLIP)
    dh = jnp.minimum(deltas[..., 3], BBOX_CLIP)
    cx = dx * wa + cxa
    cy = dy * ha + cya
    w = wa * jnp.exp(dw)
    h = ha * jnp.exp(dh)
    boxes = jnp.stack([cx - 0.5 * w, cy - 0.5 * h, cx + 0.5 * w, cy + 0.5 * h], axis=-1)
    return jnp.clip(boxes, 0.0, IMG)


def box_iou(boxes):
    area = (boxes[:, 2] - boxes[:, 0]) * (boxes[:, 3] - boxes[:, 1])
    lt = jnp.maximum(boxes[:, None, :2], boxes[None, :, :2])
    rb = jnp.minimum(boxes[:, None, 2:], boxes[None, :, 2:])
    wh = jnp.maximum(rb - lt, 0.0)
    inter = wh[..., 0] * wh[..., 1]
    union = area[:, None] + area[None, :] - inter
    return inter / jnp.maximum(union, 1e-9)


def per_image(scores, boxes):
    top_scores, idx = jax.lax.top_k(scores, PRE_NMS)
    top_boxes = jnp.take(boxes, idx, axis=0)
    iou = box_iou(jax.lax.stop_gradient(top_boxes))
    n = PRE_NMS
    ar = jnp.arange(n)

    def body(i, keep):
        suppress = (iou[i] > NMS_THRESH) & (ar > i)
        return jnp.where(keep[i], keep & (~suppress), keep)

    keep = jax.lax.fori_loop(0, n, body, jnp.ones((n,), dtype=bool))
    sel = jnp.where(keep, top_scores, -jnp.inf)
    out_scores, oidx = jax.lax.top_k(sel, POST_NMS)
    out_boxes = jnp.take(top_boxes, oidx, axis=0)
    out_scores = jnp.where(jnp.isfinite(out_scores), out_scores, 0.0)
    return out_boxes, out_scores


def setup_inputs(seed: int = 0):
    key = jax.random.key(seed)
    ks = jax.random.split(key, 4)
    features = jax.random.normal(ks[0], (B, C, H, W), dtype=jnp.float32)
    conv_w = 0.01 * jax.random.normal(ks[1], (C, C, 3, 3), dtype=jnp.float32)
    conv_b = jnp.zeros((C,), dtype=jnp.float32)
    cls_w = 0.01 * jax.random.normal(ks[2], (A, C, 1, 1), dtype=jnp.float32)
    cls_b = jnp.zeros((A,), dtype=jnp.float32)
    bbox_w = 0.01 * jax.random.normal(ks[3], (A * 4, C, 1, 1), dtype=jnp.float32)
    bbox_b = jnp.zeros((A * 4,), dtype=jnp.float32)
    return {'features': features, 'conv_w': conv_w, 'conv_b': conv_b, 'cls_w': cls_w, 'cls_b': cls_b, 'bbox_w': bbox_w, 'bbox_b': bbox_b}


def reference(features, conv_w, conv_b, cls_w, cls_b, bbox_w, bbox_b):
    t = jax.nn.relu(conv2d(features, conv_w, conv_b, 1))
    logits = conv2d(t, cls_w, cls_b, 0)
    deltas = conv2d(t, bbox_w, bbox_b, 0)
    logits = jnp.transpose(logits, (0, 2, 3, 1)).reshape(B, -1)
    deltas = deltas.reshape(B, A, 4, H, W)
    deltas = jnp.transpose(deltas, (0, 3, 4, 1, 2)).reshape(B, -1, 4)
    scores = jax.nn.sigmoid(logits)
    boxes = decode(deltas, ANCHORS)
    out_boxes, out_scores = jax.vmap(per_image)(scores, boxes)
    return jnp.concatenate([out_boxes, out_scores[..., None]], axis=-1)

if __name__ == "__main__":
    import jax
    _d = setup_inputs()
    print(jax.jit(kernel)(*tuple(_d.values())))

</pallas_src>

<mosaic_0001>
#map = affine_map<(d0, d1) -> (0, 0)>
#map1 = affine_map<(d0, d1) -> (0)>
module attributes {stable_mosaic.version = 14 : i64} {
  func.func @gather_k(%arg0: i32, %arg1: i32, %arg2: memref<15360x128xf32, #tpu.memory_space<hbm>>, %arg3: memref<4096xi32, #tpu.memory_space<hbm>>, %arg4: memref<4096x128xf32, #tpu.memory_space<hbm>>, %arg5: memref<128xi32, #tpu.memory_space<vmem>>, %arg6: memref<128x128xf32, #tpu.memory_space<vmem>>, %arg7: memref<!tpu.dma_semaphore, #tpu.memory_space<semaphore_mem>>) attributes {dimension_semantics = [#tpu.dimension_semantics<core_parallel>, #tpu.dimension_semantics<subcore_parallel>], iteration_bounds = array<i64: 2, 16>, scalar_prefetch = 0 : i64, scratch_operands = 3 : i64, tpu.core_type = #tpu.core_type<sc_vector_subcore>, window_params = [{transform_indices = #map}, {transform_indices = #map1}, {transform_indices = #map}]} {
    %mul3A = arith.constant 2 : i32
    %mul3A_0 = arith.muli %arg1, %mul3A : i32
    %add3A = arith.addi %mul3A_0, %arg0 : i32
    %mul3A_1 = arith.constant 128 : i32
    %mul3A_2 = arith.muli %add3A, %mul3A_1 : i32
    "tpu.region"() ({
      %run_scoped3A = tpu.sem_alloc : memref<!tpu.dma_semaphore, #tpu.memory_space<semaphore_mem>>
      %dma_start3A_7 = tpu.memref_slice %arg3[%mul3A_2] : memref<4096xi32, #tpu.memory_space<hbm>> -> memref<128xi32, #tpu.memory_space<hbm>>
      %dma_start3A_8 = tpu.memref_slice %arg3[%mul3A_2] : memref<4096xi32, #tpu.memory_space<hbm>> -> memref<128xi32, #tpu.memory_space<hbm>>
      tpu.enqueue_dma source(%dma_start3A_8 : memref<128xi32, #tpu.memory_space<hbm>>) target(%arg5 : memref<128xi32, #tpu.memory_space<vmem>>) target_semaphore(%run_scoped3A : memref<!tpu.dma_semaphore, #tpu.memory_space<semaphore_mem>>)
      %dma_wait3A_9 = tpu.memref_slice %arg3[%mul3A_2] : memref<4096xi32, #tpu.memory_space<hbm>> -> memref<128xi32, #tpu.memory_space<hbm>>
      %dma_wait3A_10 = tpu.memref_slice %arg3[%mul3A_2] : memref<4096xi32, #tpu.memory_space<hbm>> -> memref<128xi32, #tpu.memory_space<hbm>>
      tpu.wait_dma2 semaphore(%run_scoped3A : memref<!tpu.dma_semaphore, #tpu.memory_space<semaphore_mem>>) src(%dma_wait3A_10 : memref<128xi32, #tpu.memory_space<hbm>>) dst(%arg5 : memref<128xi32, #tpu.memory_space<vmem>>)
      tpu.yield
    }) : () -> ()
    %dma_start3A = arith.constant 0 : i32
    %dma_start3A_3 = arith.constant 0 : i32
    %dma_start3A_4 = tpu.memref_slice %arg2[%dma_start3A, %dma_start3A_3] : memref<15360x128xf32, #tpu.memory_space<hbm>> -> memref<15360x128xf32, #tpu.memory_space<hbm>>
    tpu.enqueue_indirect_dma source(%dma_start3A_4 : memref<15360x128xf32, #tpu.memory_space<hbm>>) target(%arg6 : memref<128x128xf32, #tpu.memory_space<vmem>>) offsets(%arg5 : memref<128xi32, #tpu.memory_space<vmem>>) semaphore(%arg7 : memref<!tpu.dma_semaphore, #tpu.memory_space<semaphore_mem>>)
    %dma_wait3A = arith.constant 0 : i32
    %dma_wait3A_5 = arith.constant 0 : i32
    %dma_wait3A_6 = tpu.memref_slice %arg2[%dma_wait3A, %dma_wait3A_5] : memref<15360x128xf32, #tpu.memory_space<hbm>> -> memref<15360x128xf32, #tpu.memory_space<hbm>>
    tpu.wait_indirect_dma semaphore(%arg7 : memref<!tpu.dma_semaphore, #tpu.memory_space<semaphore_mem>>) src(%dma_wait3A_6 : memref<15360x128xf32, #tpu.memory_space<hbm>>) dst(%arg6 : memref<128x128xf32, #tpu.memory_space<vmem>>)
    "tpu.region"() ({
      %run_scoped3A = tpu.sem_alloc : memref<!tpu.dma_semaphore, #tpu.memory_space<semaphore_mem>>
      %dma_start3A_7 = arith.constant 0 : i32
      %dma_start3A_8 = tpu.memref_slice %arg4[%mul3A_2, %dma_start3A_7] : memref<4096x128xf32, #tpu.memory_space<hbm>> -> memref<128x128xf32, #tpu.memory_space<hbm>>
      %dma_start3A_9 = arith.constant 0 : i32
      %dma_start3A_10 = tpu.memref_slice %arg4[%mul3A_2, %dma_start3A_9] : memref<4096x128xf32, #tpu.memory_space<hbm>> -> memref<128x128xf32, #tpu.memory_space<hbm>>
      tpu.enqueue_dma source(%arg6 : memref<128x128xf32, #tpu.memory_space<vmem>>) target(%dma_start3A_10 : memref<128x128xf32, #tpu.memory_space<hbm>>) target_semaphore(%run_scoped3A : memref<!tpu.dma_semaphore, #tpu.memory_space<semaphore_mem>>)
      %dma_wait3A_11 = arith.constant 0 : i32
      %dma_wait3A_12 = tpu.memref_slice %arg4[%mul3A_2, %dma_wait3A_11] : memref<4096x128xf32, #tpu.memory_space<hbm>> -> memref<128x128xf32, #tpu.memory_space<hbm>>
      %dma_wait3A_13 = arith.constant 0 : i32
      %dma_wait3A_14 = tpu.memref_slice %arg4[%mul3A_2, %dma_wait3A_13] : memref<4096x128xf32, #tpu.memory_space<hbm>> -> memref<128x128xf32, #tpu.memory_space<hbm>>
      tpu.wait_dma2 semaphore(%run_scoped3A : memref<!tpu.dma_semaphore, #tpu.memory_space<semaphore_mem>>) src(%arg6 : memref<128x128xf32, #tpu.memory_space<vmem>>) dst(%dma_wait3A_14 : memref<128x128xf32, #tpu.memory_space<hbm>>)
      tpu.yield
    }) : () -> ()
    return
  }
}

module attributes {stable_mosaic.version = 14 : i64} {
  func.func @_nms_kernel(%arg0: i32, %arg1: memref<1x2048x4xf32, #tpu.memory_space<vmem>>, %arg2: memref<1x4x2048xf32, #tpu.memory_space<vmem>>, %arg3: memref<1x1x2048xf32, #tpu.memory_space<vmem>>, %arg4: memref<2048x2048xbf16, #tpu.memory_space<vmem>>) attributes {dimension_semantics = [#tpu.dimension_semantics<arbitrary>], iteration_bounds = array<i64: 2>, scalar_prefetch = 0 : i64, scratch_operands = 1 : i64, tpu.core_type = #tpu.core_type<tc>, window_params = [{transform_indices = @transform_0, window_bounds = array<i64: 1, 2048, 4>}, {transform_indices = @transform_1, window_bounds = array<i64: 1, 4, 2048>}, {transform_indices = @transform_2, window_bounds = array<i64: 1, 1, 2048>}]} {
    %get3A = arith.constant 0 : index
    %get3A_0 = arith.constant 0 : index
    %get3A_1 = arith.constant 0 : index
    %get3A_2 = vector.load %arg1[%get3A, %get3A_0, %get3A_1] : memref<1x2048x4xf32, #tpu.memory_space<vmem>>, vector<1x2048x4xf32>
    %get3A_3 = vector.shape_cast %get3A_2 : vector<1x2048x4xf32> to vector<2048x4xf32>
    %get3A_4 = arith.constant 0 : index
    %get3A_5 = arith.constant 0 : index
    %get3A_6 = arith.constant 0 : index
    %get3A_7 = vector.load %arg2[%get3A_4, %get3A_5, %get3A_6] : memref<1x4x2048xf32, #tpu.memory_space<vmem>>, vector<1x4x2048xf32>
    %get3A_8 = vector.shape_cast %get3A_7 : vector<1x4x2048xf32> to vector<4x2048xf32>
    %slice3A = vector.extract_strided_slice %get3A_8 {offsets = [0, 0], sizes = [1, 2048], strides = [1, 1]} : vector<4x2048xf32> to vector<1x2048xf32>
    %slice3A_9 = vector.extract_strided_slice %get3A_8 {offsets = [1, 0], sizes = [1, 2048], strides = [1, 1]} : vector<4x2048xf32> to vector<1x2048xf32>
    %slice3A_10 = vector.extract_strided_slice %get3A_8 {offsets = [2, 0], sizes = [1, 2048], strides = [1, 1]} : vector<4x2048xf32> to vector<1x2048xf32>
    %slice3A_11 = vector.extract_strided_slice %get3A_8 {offsets = [3, 0], sizes = [1, 2048], strides = [1, 1]} : vector<4x2048xf32> to vector<1x2048xf32>
    %sub3A = arith.subf %slice3A_10, %slice3A : vector<1x2048xf32>
    %sub3A_12 = arith.subf %slice3A_11, %slice3A_9 : vector<1x2048xf32>
    %mul3A = arith.mulf %sub3A, %sub3A_12 : vector<1x2048xf32>
    %slice3A_13 = vector.extract_strided_slice %get3A_3 {offsets = [0, 0], sizes = [128, 4], strides = [1, 1]} : vector<2048x4xf32> to vector<128x4xf32>
    %slice3A_14 = vector.extract_strided_slice %slice3A_13 {offsets = [0, 0], sizes = [128, 1], strides = [1, 1]} : vector<128x4xf32> to vector<128x1xf32>
    %slice3A_15 = vector.extract_strided_slice %slice3A_13 {offsets = [0, 1], sizes = [128, 1], strides = [1, 1]} : vector<128x4xf32> to vector<128x1xf32>
    %slice3A_16 = vector.extract_strided_slice %slice3A_13 {offsets = [0, 2], sizes = [128, 1], strides = [1, 1]} : vector<128x4xf32> to vector<128x1xf32>
    %slice3A_17 = vector.extract_strided_slice %slice3A_13 {offsets = [0, 3], sizes = [128, 1], strides = [1, 1]} : vector<128x4xf32> to vector<128x1xf32>
    %sub3A_18 = arith.subf %slice3A_16, %slice3A_14 : vector<128x1xf32>
    %sub3A_19 = arith.subf %slice3A_17, %slice3A_15 : vector<128x1xf32>
    %mul3A_20 = arith.mulf %sub3A_18, %sub3A_19 : vector<128x1xf32>
    %min3A = vector.broadcast %slice3A_16 : vector<128x1xf32> to vector<128x2048xf32>
    %min3A_21 = vector.broadcast %slice3A_10 : vector<1x2048xf32> to vector<128x2048xf32>
    %min3A_22 = arith.minimumf %min3A, %min3A_21 : vector<128x2048xf32>
    %max3A = vector.broadcast %slice3A_14 : vector<128x1xf32> to vector<128x2048xf32>
    %max3A_23 = vector.broadcast %slice3A : vector<1x2048xf32> to vector<128x2048xf32>
    %max3A_24 = arith.maximumf %max3A, %max3A_23 : vector<128x2048xf32>
    %sub3A_25 = arith.subf %min3A_22, %max3A_24 : vector<128x2048xf32>
    %max3A_26 = arith.constant 0.000000e+00 : f32
    %max3A_27 = vector.broadcast %max3A_26 : f32 to vector<128x2048xf32>
    %max3A_28 = arith.maximumf %sub3A_25, %max3A_27 : vector<128x2048xf32>
    %min3A_29 = vector.broadcast %slice3A_17 : vector<128x1xf32> to vector<128x2048xf32>
    %min3A_30 = vector.broadcast %slice3A_11 : vector<1x2048xf32> to vector<128x2048xf32>
    %min3A_31 = arith.minimumf %min3A_29, %min3A_30 : vector<128x2048xf32>
    %max3A_32 = vector.broadcast %slice3A_15 : vector<128x1xf32> to vector<128x2048xf32>
    %max3A_33 = vector.broadcast %slice3A_9 : vector<1x2048xf32> to vector<128x2048xf32>
    %max3A_34 = arith.maximumf %max3A_32, %max3A_33 : vector<128x2048xf32>
    %sub3A_35 = arith.subf %min3A_31, %max3A_34 : vector<128x2048xf32>
    %max3A_36 = arith.constant 0.000000e+00 : f32
    %max3A_37 = vector.broadcast %max3A_36 : f32 to vector<128x2048xf32>
    %max3A_38 = arith.maximumf %sub3A_35, %max3A_37 : vector<128x2048xf32>
    %mul3A_39 = arith.mulf %max3A_28, %max3A_38 : vector<128x2048xf32>
    %add3A = vector.broadcast %mul3A_20 : vector<128x1xf32> to vector<128x2048xf32>
    %add3A_40 = vector.broadcast %mul3A : vector<1x2048xf32> to vector<128x2048xf32>
    %add3A_41 = arith.addf %add3A, %add3A_40 : vector<128x2048xf32>
    %sub3A_42 = arith.subf %add3A_41, %mul3A_39 : vector<128x2048xf32>
    %max3A_43 = arith.constant 9.99999971E-10 : f32
    %max3A_44 = vector.broadcast %max3A_43 : f32 to vector<128x2048xf32>
    %max3A_45 = arith.maximumf %sub3A_42, %max3A_44 : vector<128x2048xf32>
    %div3A = arith.divf %mul3A_39, %max3A_45 : vector<128x2048xf32>
    %iota3A = tpu.iota {dimensions = array<i32: 1>} : vector<1x2048xi32>
    %iota3A_46 = tpu.iota {dimensions = array<i32: 0>} : vector<128x1xi32>
    %gt3A = vector.broadcast %iota3A : vector<1x2048xi32> to vector<128x2048xi32>
    %gt3A_47 = vector.broadcast %iota3A_46 : vector<128x1xi32> to vector<128x2048xi32>
    %gt3A_48 = arith.cmpi sgt, %gt3A, %gt3A_47 : vector<128x2048xi32>
    %gt3A_49 = arith.constant 0.699999988 : f32
    %gt3A_50 = vector.broadcast %gt3A_49 : f32 to vector<128x2048xf32>
    %gt3A_51 = arith.cmpf ogt, %div3A, %gt3A_50 : vector<128x2048xf32>
    %and3A = arith.andi %gt3A_51, %gt3A_48 : vector<128x2048xi1>
    %jit3A = arith.constant 1.000000e+00 : f32
    %jit3A_52 = arith.constant 0.000000e+00 : f32
    %broadcast_in_dim3A = vector.broadcast %jit3A : f32 to vector<128x2048xf32>
    %broadcast_in_dim3A_53 = vector.broadcast %jit3A_52 : f32 to vector<128x2048xf32>
    %select_n3A = arith.select %and3A, %broadcast_in_dim3A, %broadcast_in_dim3A_53 : vector<128x2048xi1>, vector<128x2048xf32>
    %convert_element_type3A = arith.truncf %select_n3A : vector<128x2048xf32> to vector<128x2048xbf16>
    %swap3A = arith.constant 0 : index
    %swap3A_54 = arith.constant 0 : index
    %swap3A_55 = vector.load %arg4[%swap3A, %swap3A_54] : memref<2048x2048xbf16, #tpu.memory_space<vmem>>, vector<128x2048xbf16>
    tpu.vector_store %arg4[%swap3A, %swap3A_54], %convert_element_type3A {strides = array<i32>} : memref<2048x2048xbf16, #tpu.memory_space<vmem>>, vector<128x2048xbf16>,
    %slice3A_56 = vector.extract_strided_slice %get3A_3 {offsets = [128, 0], sizes = [128, 4], strides = [1, 1]} : vector<2048x4xf32> to vector<128x4xf32>
    %slice3A_57 = vector.extract_strided_slice %slice3A_56 {offsets = [0, 0], sizes = [128, 1], strides = [1, 1]} : vector<128x4xf32> to vector<128x1xf32>
    %slice3A_58 = vector.extract_strided_slice %slice3A_56 {offsets = [0, 1], sizes = [128, 1], strides = [1, 1]} : vector<128x4xf32> to vector<128x1xf32>
    %slice3A_59 = vector.extract_strided_slice %slice3A_56 {offsets = [0, 2], sizes = [128, 1], strides = [1, 1]} : vector<128x4xf32> to vector<128x1xf32>
    %slice3A_60 = vector.extract_strided_slice %slice3A_56 {offsets = [0, 3], sizes = [128, 1], strides = [1, 1]} : vector<128x4xf32> to vector<128x1xf32>
    %sub3A_61 = arith.subf %slice3A_59, %slice3A_57 : vector<128x1xf32>
    %sub3A_62 = arith.subf %slice3A_60, %slice3A_58 : vector<128x1xf32>
    %mul3A_63 = arith.mulf %sub3A_61, %sub3A_62 : vector<128x1xf32>
    %slice3A_64 = vector.extract_strided_slice %slice3A {offsets = [0, 128], sizes = [1, 1920], strides = [1, 1]} : vector<1x2048xf32> to vector<1x1920xf32>
    %slice3A_65 = vector.extract_strided_slice %slice3A_9 {offsets = [0, 128], sizes = [1, 1920], strides = [1, 1]} : vector<1x2048xf32> to vector<1x1920xf32>
    %slice3A_66 = vector.extract_strided_slice %slice3A_10 {offsets = [0, 128], sizes = [1, 1920], strides = [1, 1]} : vector<1x2048xf32> to vector<1x1920xf32>
    %slice3A_67 = vector.extract_strided_slice %slice3A_11 {offsets = [0, 128], sizes = [1, 1920], strides = [1, 1]} : vector<1x2048xf32> to vector<1x1920xf32>
    %slice3A_68 = vector.extract_strided_slice %mul3A {offsets = [0, 128], sizes = [1, 1920], strides = [1, 1]} : vector<1x2048xf32> to vector<1x1920xf32>
    %min3A_69 = vector.broadcast %slice3A_59 : vector<128x1xf32> to vector<128x1920xf32>
    %min3A_70 = vector.broadcast %slice3A_66 : vector<1x1920xf32> to vector<128x1920xf32>
    %min3A_71 = arith.minimumf %min3A_69, %min3A_70 : vector<128x1920xf32>
    %max3A_72 = vector.broadcast %slice3A_57 : vector<128x1xf32> to vector<128x1920xf32>
    %max3A_73 = vector.broadcast %slice3A_64 : vector<1x1920xf32> to vector<128x1920xf32>
    %max3A_74 = arith.maximumf %max3A_72, %max3A_73 : vector<128x1920xf32>
    %sub3A_75 = arith.subf %min3A_71, %max3A_74 : vector<128x1920xf32>
    %max3A_76 = arith.constant 0.000000e+00 : f32
    %max3A_77 = vector.broadcast %max3A_76 : f32 to vector<128x1920xf32>
    %max3A_78 = arith.maximumf %sub3A_75, %max3A_77 : vector<128x1920xf32>
    %min3A_79 = vector.broadcast %slice3A_60 : vector<128x1xf32> to vector<128x1920xf32>
    %min3A_80 = vector.broadcast %slice3A_67 : vector<1x1920xf32> to vector<128x1920xf32>
    %min3A_81 = arith.minimumf %min3A_79, %min3A_80 : vector<128x1920xf32>
    %max3A_82 = vector.broadcast %slice3A_58 : vector<128x1xf32> to vector<128x1920xf32>
    %max3A_83 = vector.broadcast %slice3A_65 : vector<1x1920xf32> to vector<128x1920xf32>
    %max3A_84 = arith.maximumf %max3A_82, %max3A_83 : vector<128x1920xf32>
    %sub3A_85 = arith.subf %min3A_81, %max3A_84 : vector<128x1920xf32>
    %max3A_86 = arith.constant 0.000000e+00 : f32
    %max3A_87 = vector.broadcast %max3A_86 : f32 to vector<128x1920xf32>
    %max3A_88 = arith.maximumf %sub3A_85, %max3A_87 : vector<128x1920xf32>
    %mul3A_89 = arith.mulf %max3A_78, %max3A_88 : vector<128x1920xf32>
    %add3A_90 = vector.broadcast %mul3A_63 : vector<128x1xf32> to vector<128x1920xf32>
    %add3A_91 = vector.broadcast %slice3A_68 : vector<1x1920xf32> to vector<128x1920xf32>
    %add3A_92 = arith.addf %add3A_90, %add3A_91 : vector<128x1920xf32>
    %sub3A_93 = arith.subf %add3A_92, %mul3A_89 : vector<128x1920xf32>
    %max3A_94 = arith.constant 9.99999971E-10 : f32
    %max3A_95 = vector.broadcast %max3A_94 : f32 to vector<128x1920xf32>
    %max3A_96 = arith.maximumf %sub3A_93, %max3A_95 : vector<128x1920xf32>
    %div3A_97 = arith.divf %mul3A_89, %max3A_96 : vector<128x1920xf32>
    %iota3A_98 = tpu.iota {dimensions = array<i32: 1>} : vector<1x1920xi32>
    %iota3A_99 = tpu.iota {dimensions = array<i32: 0>} : vector<128x1xi32>
    %gt3A_100 = vector.broadcast %iota3A_98 : vector<1x1920xi32> to vector<128x1920xi32>
    %gt3A_101 = vector.broadcast %iota3A_99 : vector<128x1xi32> to vector<128x1920xi32>
    %gt3A_102 = arith.cmpi sgt, %gt3A_100, %gt3A_101 : vector<128x1920xi32>
    %gt3A_103 = arith.constant 0.699999988 : f32
    %gt3A_104 = vector.broadcast %gt3A_103 : f32 to vector<128x1920xf32>
    %gt3A_105 = arith.cmpf ogt, %div3A_97, %gt3A_104 : vector<128x1920xf32>
    %and3A_106 = arith.andi %gt3A_105, %gt3A_102 : vector<128x1920xi1>
    %jit3A_107 = arith.constant 1.000000e+00 : f32
    %jit3A_108 = arith.constant 0.000000e+00 : f32
    %broadcast_in_dim3A_109 = vector.broadcast %jit3A_107 : f32 to vector<128x1920xf32>
    %broadcast_in_dim3A_110 = vector.broadcast %jit3A_108 : f32 to vector<128x1920xf32>
    %select_n3A_111 = arith.select %and3A_106, %broadcast_in_dim3A_109, %broadcast_in_dim3A_110 : vector<128x1920xi1>, vector<128x1920xf32>
    %convert_element_type3A_112 = arith.truncf %select_n3A_111 : vector<128x1920xf32> to vector<128x1920xbf16>
    %swap3A_113 = arith.constant 128 : index
    %swap3A_114 = arith.constant 128 : index
    %swap3A_115 = vector.load %arg4[%swap3A_113, %swap3A_114] : memref<2048x2048xbf16, #tpu.memory_space<vmem>>, vector<128x1920xbf16>
    tpu.vector_store %arg4[%swap3A_113, %swap3A_114], %convert_element_type3A_112 {strides = array<i32>} : memref<2048x2048xbf16, #tpu.memory_space<vmem>>, vector<128x1920xbf16>,
    %broadcast_in_dim3A_116 = arith.constant 0.000000e+00 : bf16
    %broadcast_in_dim3A_117 = vector.broadcast %broadcast_in_dim3A_116 : bf16 to vector<128x128xbf16>
    %swap3A_118 = arith.constant 128 : index
    %swap3A_119 = arith.constant 0 : index
    %swap3A_120 = vector.load %arg4[%swap3A_118, %swap3A_119] : memref<2048x2048xbf16, #tpu.memory_space<vmem>>, vector<128x128xbf16>
    tpu.vector_store %arg4[%swap3A_118, %swap3A_119], %broadcast_in_dim3A_117 {strides = array<i32>} : memref<2048x2048xbf16, #tpu.memory_space<vmem>>, vector<128x128xbf16>,
    %slice3A_121 = vector.extract_strided_slice %get3A_3 {offsets = [256, 0], sizes = [128, 4], strides = [1, 1]} : vector<2048x4xf32> to vector<128x4xf32>
    %slice3A_122 = vector.extract_strided_slice %slice3A_121 {offsets = [0, 0], sizes = [128, 1], strides = [1, 1]} : vector<128x4xf32> to vector<128x1xf32>
    %slice3A_123 = vector.extract_strided_slice %slice3A_121 {offsets = [0, 1], sizes = [128, 1], strides = [1, 1]} : vector<128x4xf32> to vector<128x1xf32>
    %slice3A_124 = vector.extract_strided_slice %slice3A_121 {offsets = [0, 2], sizes = [128, 1], strides = [1, 1]} : vector<128x4xf32> to vector<128x1xf32>
    %slice3A_125 = vector.extract_strided_slice %slice3A_121 {offsets = [0, 3], sizes = [128, 1], strides = [1, 1]} : vector<128x4xf32> to vector<128x1xf32>
    %sub3A_126 = arith.subf %slice3A_124, %slice3A_122 : vector<128x1xf32>
    %sub3A_127 = arith.subf %slice3A_125, %slice3A_123 : vector<128x1xf32>
    %mul3A_128 = arith.mulf %sub3A_126, %sub3A_127 : vector<128x1xf32>
    %slice3A_129 = vector.extract_strided_slice %slice3A {offsets = [0, 256], sizes = [1, 1792], strides = [1, 1]} : vector<1x2048xf32> to vector<1x1792xf32>
    %slice3A_130 = vector.extract_strided_slice %slice3A_9 {offsets = [0, 256], sizes = [1, 1792], strides = [1, 1]} : vector<1x2048xf32> to vector<1x1792xf32>
    %slice3A_131 = vector.extract_strided_slice %slice3A_10 {offsets = [0, 256], sizes = [1, 1792], strides = [1, 1]} : vector<1x2048xf32> to vector<1x1792xf32>
    %slice3A_132 = vector.extract_strided_slice %slice3A_11 {offsets = [0, 256], sizes = [1, 1792], strides = [1, 1]} : vector<1x2048xf32> to vector<1x1792xf32>
    %slice3A_133 = vector.extract_strided_slice %mul3A {offsets = [0, 256], sizes = [1, 1792], strides = [1, 1]} : vector<1x2048xf32> to vector<1x1792xf32>
    %min3A_134 = vector.broadcast %slice3A_124 : vector<128x1xf32> to vector<128x1792xf32>
    %min3A_135 = vector.broadcast %slice3A_131 : vector<1x1792xf32> to vector<128x1792xf32>
    %min3A_136 = arith.minimumf %min3A_134, %min3A_135 : vector<128x1792xf32>
    %max3A_137 = vector.broadcast %slice3A_122 : vector<128x1xf32> to vector<128x1792xf32>
    %max3A_138 = vector.broadcast %slice3A_129 : vector<1x1792xf32> to vector<128x1792xf32>
    %max3A_139 = arith.maximumf %max3A_137, %max3A_138 : vector<128x1792xf32>
    %sub3A_140 = arith.subf %min3A_136, %max3A_139 : vector<128x1792xf32>
    %max3A_141 = arith.constant 0.000000e+00 : f32
    %max3A_142 = vector.broadcast %max3A_141 : f32 to vector<128x1792xf32>
    %max3A_143 = arith.maximumf %sub3A_140, %max3A_142 : vector<128x1792xf32>
    %min3A_144 = vector.broadcast %slice3A_125 : vector<128x1xf32> to vector<128x1792xf32>
    %min3A_145 = vector.broadcast %slice3A_132 : vector<1x1792xf32> to vector<128x1792xf32>
    %min3A_146 = arith.minimumf %min3A_144, %min3A_145 : vector<128x1792xf32>
    %max3A_147 = vector.broadcast %slice3A_123 : vector<128x1xf32> to vector<128x1792xf32>
    %max3A_148 = vector.broadcast %slice3A_130 : vector<1x1792xf32> to vector<128x1792xf32>
    %max3A_149 = arith.maximumf %max3A_147, %max3A_148 : vector<128x1792xf32>
    %sub3A_150 = arith.subf %min3A_146, %max3A_149 : vector<128x1792xf32>
    %max3A_151 = arith.constant 0.000000e+00 : f32
    %max3A_152 = vector.broadcast %max3A_151 : f32 to vector<128x1792xf32>
    %max3A_153 = arith.maximumf %sub3A_150, %max3A_152 : vector<128x1792xf32>
    %mul3A_154 = arith.mulf %max3A_143, %max3A_153 : vector<128x1792xf32>
    %add3A_155 = vector.broadcast %mul3A_128 : vector<128x1xf32> to vector<128x1792xf32>
    %add3A_156 = vector.broadcast %slice3A_133 : vector<1x1792xf32> to vector<128x1792xf32>
    %add3A_157 = arith.addf %add3A_155, %add3A_156 : vector<128x1792xf32>
    %sub3A_158 = arith.subf %add3A_157, %mul3A_154 : vector<128x1792xf32>
    %max3A_159 = arith.constant 9.99999971E-10 : f32
    %max3A_160 = vector.broadcast %max3A_159 : f32 to vector<128x1792xf32>
    %max3A_161 = arith.maximumf %sub3A_158, %max3A_160 : vector<128x1792xf32>
    %div3A_162 = arith.divf %mul3A_154, %max3A_161 : vector<128x1792xf32>
    %iota3A_163 = tpu.iota {dimensions = array<i32: 1>} : vector<1x1792xi32>
    %iota3A_164 = tpu.iota {dimensions = array<i32: 0>} : vector<128x1xi32>
    %gt3A_165 = vector.broadcast %iota3A_163 : vector<1x1792xi32> to vector<128x1792xi32>
    %gt3A_166 = vector.broadcast %iota3A_164 : vector<128x1xi32> to vector<128x1792xi32>
    %gt3A_167 = arith.cmpi sgt, %gt3A_165, %gt3A_166 : vector<128x1792xi32>
    %gt3A_168 = arith.constant 0.699999988 : f32
    %gt3A_169 = vector.broadcast %gt3A_168 : f32 to vector<128x1792xf32>
    %gt3A_170 = arith.cmpf ogt, %div3A_162, %gt3A_169 : vector<128x1792xf32>
    %and3A_171 = arith.andi %gt3A_170, %gt3A_167 : vector<128x1792xi1>
    %jit3A_172 = arith.constant 1.000000e+00 : f32
    %jit3A_173 = arith.constant 0.000000e+00 : f32
    %broadcast_in_dim3A_174 = vector.broadcast %jit3A_172 : f32 to vector<128x1792xf32>
    %broadcast_in_dim3A_175 = vector.broadcast %jit3A_173 : f32 to vector<128x1792xf32>
    %select_n3A_176 = arith.select %and3A_171, %broadcast_in_dim3A_174, %broadcast_in_dim3A_175 : vector<128x1792xi1>, vector<128x1792xf32>
    %convert_element_type3A_177 = arith.truncf %select_n3A_176 : vector<128x1792xf32> to vector<128x1792xbf16>
    %swap3A_178 = arith.constant 256 : index
    %swap3A_179 = arith.constant 256 : index
    %swap3A_180 = vector.load %arg4[%swap3A_178, %swap3A_179] : memref<2048x2048xbf16, #tpu.memory_space<vmem>>, vector<128x1792xbf16>
    tpu.vector_store %arg4[%swap3A_178, %swap3A_179], %convert_element_type3A_177 {strides = array<i32>} : memref<2048x2048xbf16, #tpu.memory_space<vmem>>, vector<128x1792xbf16>,
    %broadcast_in_dim3A_181 = arith.constant 0.000000e+00 : bf16
    %broadcast_in_dim3A_182 = vector.broadcast %broadcast_in_dim3A_181 : bf16 to vector<128x256xbf16>
    %swap3A_183 = arith.constant 256 : index
    %swap3A_184 = arith.constant 0 : index
    %swap3A_185 = vector.load %arg4[%swap3A_183, %swap3A_184] : memref<2048x2048xbf16, #tpu.memory_space<vmem>>, vector<128x256xbf16>
    tpu.vector_store %arg4[%swap3A_183, %swap3A_184], %broadcast_in_dim3A_182 {strides = array<i32>} : memref<2048x2048xbf16, #tpu.memory_space<vmem>>, vector<128x256xbf16>,
    %slice3A_186 = vector.extract_strided_slice %get3A_3 {offsets = [384, 0], sizes = [128, 4], strides = [1, 1]} : vector<2048x4xf32> to vector<128x4xf32>
    %slice3A_187 = vector.extract_strided_slice %slice3A_186 {offsets = [0, 0], sizes = [128, 1], strides = [1, 1]} : vector<128x4xf32> to vector<128x1xf32>
    %slice3A_188 = vector.extract_strided_slice %slice3A_186 {offsets = [0, 1], sizes = [128, 1], strides = [1, 1]} : vector<128x4xf32> to vector<128x1xf32>
    %slice3A_189 = vector.extract_strided_slice %slice3A_186 {offsets = [0, 2], sizes = [128, 1], strides = [1, 1]} : vector<128x4xf32> to vector<128x1xf32>
    %slice3A_190 = vector.extract_strided_slice %slice3A_186 {offsets = [0, 3], sizes = [128, 1], strides = [1, 1]} : vector<128x4xf32> to vector<128x1xf32>
    %sub3A_191 = arith.subf %slice3A_189, %slice3A_187 : vector<128x1xf32>
    %sub3A_192 = arith.subf %slice3A_190, %slice3A_188 : vector<128x1xf32>
    %mul3A_193 = arith.mulf %sub3A_191, %sub3A_192 : vector<128x1xf32>
    %slice3A_194 = vector.extract_strided_slice %slice3A {offsets = [0, 384], sizes = [1, 1664], strides = [1, 1]} : vector<1x2048xf32> to vector<1x1664xf32>
    %slice3A_195 = vector.extract_strided_slice %slice3A_9 {offsets = [0, 384], sizes = [1, 1664], strides = [1, 1]} : vector<1x2048xf32> to vector<1x1664xf32>
    %slice3A_196 = vector.extract_strided_slice %slice3A_10 {offsets = [0, 384], sizes = [1, 1664], strides = [1, 1]} : vector<1x2048xf32> to vector<1x1664xf32>
    %slice3A_197 = vector.extract_strided_slice %slice3A_11 {offsets = [0, 384], sizes = [1, 1664], strides = [1, 1]} : vector<1x2048xf32> to vector<1x1664xf32>
    %slice3A_198 = vector.extract_strided_slice %mul3A {offsets = [0, 384], sizes = [1, 1664], strides = [1, 1]} : vector<1x2048xf32> to vector<1x1664xf32>
    %min3A_199 = vector.broadcast %slice3A_189 : vector<128x1xf32> to vector<128x1664xf32>
    %min3A_200 = vector.broadcast %slice3A_196 : vector<1x1664xf32> to vector<128x1664xf32>
    %min3A_201 = arith.minimumf %min3A_199, %min3A_200 : vector<128x1664xf32>
    %max3A_202 = vector.broadcast %slice3A_187 : vector<128x1xf32> to vector<128x1664xf32>
    %max3A_203 = vector.broadcast %slice3A_194 : vector<1x1664xf32> to vector<128x1664xf32>
    %max3A_204 = arith.maximumf %max3A_202, %max3A_203 : vector<128x1664xf32>
    %sub3A_205 = arith.subf %min3A_201, %max3A_204 : vector<128x1664xf32>
    %max3A_206 = arith.constant 0.000000e+00 : f32
    %max3A_207 = vector.broadcast %max3A_206 : f32 to vector<128x1664xf32>
    %max3A_208 = arith.maximumf %sub3A_205, %max3A_207 : vector<128x1664xf32>
    %min3A_209 = vector.broadcast %slice3A_190 : vector<128x1xf32> to vector<128x1664xf32>
    %min3A_210 = vector.broadcast %slice3A_197 : vector<1x1664xf32> to vector<128x1664xf32>
    %min3A_211 = arith.minimumf %min3A_209, %min3A_210 : vector<128x1664xf32>
    %max3A_212 = vector.broadcast %slice3A_188 : vector<128x1xf32> to vector<128x1664xf32>
    %max3A_213 = vector.broadcast %slice3A_195 : vector<1x1664xf32> to vector<128x1664xf32>
    %max3A_214 = arith.maximumf %max3A_212, %max3A_213 : vector<128x1664xf32>
    %sub3A_215 = arith.subf %min3A_211, %max3A_214 : vector<128x1664xf32>
    %max3A_216 = arith.constant 0.000000e+00 : f32
    %max3A_217 = vector.broadcast %max3A_216 : f32 to vector<128x1664xf32>
    %max3A_218 = arith.maximumf %sub3A_215, %max3A_217 : vector<128x1664xf32>
    %mul3A_219 = arith.mulf %max3A_208, %max3A_218 : vector<128x1664xf32>
    %add3A_220 = vector.broadcast %mul3A_193 : vector<128x1xf32> to vector<128x1664xf32>
    %add3A_221 = vector.broadcast %slice3A_198 : vector<1x1664xf32> to vector<128x1664xf32>
    %add3A_222 = arith.addf %add3A_220, %add3A_221 : vector<128x1664xf32>
    %sub3A_223 = arith.subf %add3A_222, %mul3A_219 : vector<128x1664xf32>
    %max3A_224 = arith.constant 9.99999971E-10 : f32
    %max3A_225 = vector.broadcast %max3A_224 : f32 to vector<128x1664xf32>
    %max3A_226 = arith.maximumf %sub3A_223, %max3A_225 : vector<128x1664xf32>
    %div3A_227 = arith.divf %mul3A_219, %max3A_226 : vector<128x1664xf32>
    %iota3A_228 = tpu.iota {dimensions = array<i32: 1>} : vector<1x1664xi32>
    %iota3A_229 = tpu.iota {dimensions = array<i32: 0>} : vector<128x1xi32>
    %gt3A_230 = vector.broadcast %iota3A_228 : vector<1x1664xi32> to vector<128x1664xi32>
    %gt3A_231 = vector.broadcast %iota3A_229 : vector<128x1xi32> to vector<128x1664xi32>
    %gt3A_232 = arith.cmpi sgt, %gt3A_230, %gt3A_231 : vector<128x1664xi32>
    %gt3A_233 = arith.constant 0.699999988 : f32
    %gt3A_234 = vector.broadcast %gt3A_233 : f32 to vector<128x1664xf32>
    %gt3A_235 = arith.cmpf ogt, %div3A_227, %gt3A_234 : vector<128x1664xf32>
    %and3A_236 = arith.andi %gt3A_235, %gt3A_232 : vector<128x1664xi1>
    %jit3A_237 = arith.constant 1.000000e+00 : f32
    %jit3A_238 = arith.constant 0.000000e+00 : f32
    %broadcast_in_dim3A_239 = vector.broadcast %jit3A_237 : f32 to vector<128x1664xf32>
    %broadcast_in_dim3A_240 = vector.broadcast %jit3A_238 : f32 to vector<128x1664xf32>
    %select_n3A_241 = arith.select %and3A_236, %broadcast_in_dim3A_239, %broadcast_in_dim3A_240 : vector<128x1664xi1>, vector<128x1664xf32>
    %convert_element_type3A_242 = arith.truncf %select_n3A_241 : vector<128x1664xf32> to vector<128x1664xbf16>
    %swap3A_243 = arith.constant 384 : index
    %swap3A_244 = arith.constant 384 : index
    %swap3A_245 = vector.load %arg4[%swap3A_243, %swap3A_244] : memref<2048x2048xbf16, #tpu.memory_space<vmem>>, vector<128x1664xbf16>
    tpu.vector_store %arg4[%swap3A_243, %swap3A_244], %convert_element_type3A_242 {strides = array<i32>} : memref<2048x2048xbf16, #tpu.memory_space<vmem>>, vector<128x1664xbf16>,
    %broadcast_in_dim3A_246 = arith.constant 0.000000e+00 : bf16
    %broadcast_in_dim3A_247 = vector.broadcast %broadcast_in_dim3A_246 : bf16 to vector<128x384xbf16>
    %swap3A_248 = arith.constant 384 : index
    %swap3A_249 = arith.constant 0 : index
    %swap3A_250 = vector.load %arg4[%swap3A_248, %swap3A_249] : memref<2048x2048xbf16, #tpu.memory_space<vmem>>, vector<128x384xbf16>
    tpu.vector_store %arg4[%swap3A_248, %swap3A_249], %broadcast_in_dim3A_247 {strides = array<i32>} : memref<2048x2048xbf16, #tpu.memory_space<vmem>>, vector<128x384xbf16>,
    %slice3A_251 = vector.extract_strided_slice %get3A_3 {offsets = [512, 0], sizes = [128, 4], strides = [1, 1]} : vector<2048x4xf32> to vector<128x4xf32>
    %slice3A_252 = vector.extract_strided_slice %slice3A_251 {offsets = [0, 0], sizes = [128, 1], strides = [1, 1]} : vector<128x4xf32> to vector<128x1xf32>
    %slice3A_253 = vector.extract_strided_slice %slice3A_251 {offsets = [0, 1], sizes = [128, 1], strides = [1, 1]} : vector<128x4xf32> to vector<128x1xf32>
    %slice3A_254 = vector.extract_strided_slice %slice3A_251 {offsets = [0, 2], sizes = [128, 1], strides = [1, 1]} : vector<128x4xf32> to vector<128x1xf32>
    %slice3A_255 = vector.extract_strided_slice %slice3A_251 {offsets = [0, 3], sizes = [128, 1], strides = [1, 1]} : vector<128x4xf32> to vector<128x1xf32>
    %sub3A_256 = arith.subf %slice3A_254, %slice3A_252 : vector<128x1xf32>
    %sub3A_257 = arith.subf %slice3A_255, %slice3A_253 : vector<128x1xf32>
    %mul3A_258 = arith.mulf %sub3A_256, %sub3A_257 : vector<128x1xf32>
    %slice3A_259 = vector.extract_strided_slice %slice3A {offsets = [0, 512], sizes = [1, 1536], strides = [1, 1]} : vector<1x2048xf32> to vector<1x1536xf32>
    %slice3A_260 = vector.extract_strided_slice %slice3A_9 {offsets = [0, 512], sizes = [1, 1536], strides = [1, 1]} : vector<1x2048xf32> to vector<1x1536xf32>
    %slice3A_261 = vector.extract_strided_slice %slice3A_10 {offsets = [0, 512], sizes = [1, 1536], strides = [1, 1]} : vector<1x2048xf32> to vector<1x1536xf32>
    %slice3A_262 = vector.extract_strided_slice %slice3A_11 {offsets = [0, 512], sizes = [1, 1536], strides = [1, 1]} : vector<1x2048xf32> to vector<1x1536xf32>
    %slice3A_263 = vector.extract_strided_slice %mul3A {offsets = [0, 512], sizes = [1, 1536], strides = [1, 1]} : vector<1x2048xf32> to vector<1x1536xf32>
    %min3A_264 = vector.broadcast %slice3A_254 : vector<128x1xf32> to vector<128x1536xf32>
    %min3A_265 = vector.broadcast %slice3A_261 : vector<1x1536xf32> to vector<128x1536xf32>
    %min3A_266 = arith.minimumf %min3A_264, %min3A_265 : vector<128x1536xf32>
    %max3A_267 = vector.broadcast %slice3A_252 : vector<128x1xf32> to vector<128x1536xf32>
    %max3A_268 = vector.broadcast %slice3A_259 : vector<1x1536xf32> to vector<128x1536xf32>
    %max3A_269 = arith.maximumf %max3A_267, %max3A_268 : vector<128x1536xf32>
    %sub3A_270 = arith.subf %min3A_266, %max3A_269 : vector<128x1536xf32>
    %max3A_271 = arith.constant 0.000000e+00 : f32
    %max3A_272 = vector.broadcast %max3A_271 : f32 to vector<128x1536xf32>
    %max3A_273 = arith.maximumf %sub3A_270, %max3A_272 : vector<128x1536xf32>
    %min3A_274 = vector.broadcast %slice3A_255 : vector<128x1xf32> to vector<128x1536xf32>
    %min3A_275 = vector.broadcast %slice3A_262 : vector<1x1536xf32> to vector<128x1536xf32>
    %min3A_276 = arith.minimumf %min3A_274, %min3A_275 : vector<128x1536xf32>
    %max3A_277 = vector.broadcast %slice3A_253 : vector<128x1xf32> to vector<128x1536xf32>
    %max3A_278 = vector.broadcast %slice3A_260 : vector<1x1536xf32> to vector<128x1536xf32>
    %max3A_279 = arith.maximumf %max3A_277, %max3A_278 : vector<128x1536xf32>
    %sub3A_280 = arith.subf %min3A_276, %max3A_279 : vector<128x1536xf32>
    %max3A_281 = arith.constant 0.000000e+00 : f32
    %max3A_282 = vector.broadcast %max3A_281 : f32 to vector<128x1536xf32>
    %max3A_283 = arith.maximumf %sub3A_280, %max3A_282 : vector<128x1536xf32>
    %mul3A_284 = arith.mulf %max3A_273, %max3A_283 : vector<128x1536xf32>
    %add3A_285 = vector.broadcast %mul3A_258 : vector<128x1xf32> to vector<128x1536xf32>
    %add3A_286 = vector.broadcast %slice3A_263 : vector<1x1536xf32> to vector<128x1536xf32>
    %add3A_287 = arith.addf %add3A_285, %add3A_286 : vector<128x1536xf32>
    %sub3A_288 = arith.subf %add3A_287, %mul3A_284 : vector<128x1536xf32>
    %max3A_289 = arith.constant 9.99999971E-10 : f32
    %max3A_290 = vector.broadcast %max3A_289 : f32 to vector<128x1536xf32>
    %max3A_291 = arith.maximumf %sub3A_288, %max3A_290 : vector<128x1536xf32>
    %div3A_292 = arith.divf %mul3A_284, %max3A_291 : vector<128x1536xf32>
    %iota3A_293 = tpu.iota {dimensions = array<i32: 1>} : vector<1x1536xi32>
    %iota3A_294 = tpu.iota {dimensions = array<i32: 0>} : vector<128x1xi32>
    %gt3A_295 = vector.broadcast %iota3A_293 : vector<1x1536xi32> to vector<128x1536xi32>
    %gt3A_296 = vector.broadcast %iota3A_294 : vector<128x1xi32> to vector<128x1536xi32>
    %gt3A_297 = arith.cmpi sgt, %gt3A_295, %gt3A_296 : vector<128x1536xi32>
    %gt3A_298 = arith.constant 0.699999988 : f32
    %gt3A_299 = vector.broadcast %gt3A_298 : f32 to vector<128x1536xf32>
    %gt3A_300 = arith.cmpf ogt, %div3A_292, %gt3A_299 : vector<128x1536xf32>
    %and3A_301 = arith.andi %gt3A_300, %gt3A_297 : vector<128x1536xi1>
    %jit3A_302 = arith.constant 1.000000e+00 : f32
    %jit3A_303 = arith.constant 0.000000e+00 : f32
    %broadcast_in_dim3A_304 = vector.broadcast %jit3A_302 : f32 to vector<128x1536xf32>
    %broadcast_in_dim3A_305 = vector.broadcast %jit3A_303 : f32 to vector<128x1536xf32>
    %select_n3A_306 = arith.select %and3A_301, %broadcast_in_dim3A_304, %broadcast_in_dim3A_305 : vector<128x1536xi1>, vector<128x1536xf32>
    %convert_element_type3A_307 = arith.truncf %select_n3A_306 : vector<128x1536xf32> to vector<128x1536xbf16>
    %swap3A_308 = arith.constant 512 : index
    %swap3A_309 = arith.constant 512 : index
    %swap3A_310 = vector.load %arg4[%swap3A_308, %swap3A_309] : memref<2048x2048xbf16, #tpu.memory_space<vmem>>, vector<128x1536xbf16>
    tpu.vector_store %arg4[%swap3A_308, %swap3A_309], %convert_element_type3A_307 {strides = array<i32>} : memref<2048x2048xbf16, #tpu.memory_space<vmem>>, vector<128x1536xbf16>,
    %broadcast_in_dim3A_311 = arith.constant 0.000000e+00 : bf16
    %broadcast_in_dim3A_312 = vector.broadcast %broadcast_in_dim3A_311 : bf16 to vector<128x512xbf16>
    %swap3A_313 = arith.constant 512 : index
    %swap3A_314 = arith.constant 0 : index
    %swap3A_315 = vector.load %arg4[%swap3A_313, %swap3A_314] : memref<2048x2048xbf16, #tpu.memory_space<vmem>>, vector<128x512xbf16>
    tpu.vector_store %arg4[%swap3A_313, %swap3A_314], %broadcast_in_dim3A_312 {strides = array<i32>} : memref<2048x2048xbf16, #tpu.memory_space<vmem>>, vector<128x512xbf16>,
    %slice3A_316 = vector.extract_strided_slice %get3A_3 {offsets = [640, 0], sizes = [128, 4], strides = [1, 1]} : vector<2048x4xf32> to vector<128x4xf32>
    %slice3A_317 = vector.extract_strided_slice %slice3A_316 {offsets = [0, 0], sizes = [128, 1], strides = [1, 1]} : vector<128x4xf32> to vector<128x1xf32>
    %slice3A_318 = vector.extract_strided_slice %slice3A_316 {offsets = [0, 1], sizes = [128, 1], strides = [1, 1]} : vector<128x4xf32> to vector<128x1xf32>
    %slice3A_319 = vector.extract_strided_slice %slice3A_316 {offsets = [0, 2], sizes = [128, 1], strides = [1, 1]} : vector<128x4xf32> to vector<128x1xf32>
    %slice3A_320 = vector.extract_strided_slice %slice3A_316 {offsets = [0, 3], sizes = [128, 1], strides = [1, 1]} : vector<128x4xf32> to vector<128x1xf32>
    %sub3A_321 = arith.subf %slice3A_319, %slice3A_317 : vector<128x1xf32>
    %sub3A_322 = arith.subf %slice3A_320, %slice3A_318 : vector<128x1xf32>
    %mul3A_323 = arith.mulf %sub3A_321, %sub3A_322 : vector<128x1xf32>
    %slice3A_324 = vector.extract_strided_slice %slice3A {offsets = [0, 640], sizes = [1, 1408], strides = [1, 1]} : vector<1x2048xf32> to vector<1x1408xf32>
    %slice3A_325 = vector.extract_strided_slice %slice3A_9 {offsets = [0, 640], sizes = [1, 1408], strides = [1, 1]} : vector<1x2048xf32> to vector<1x1408xf32>
    %slice3A_326 = vector.extract_strided_slice %slice3A_10 {offsets = [0, 640], sizes = [1, 1408], strides = [1, 1]} : vector<1x2048xf32> to vector<1x1408xf32>
    %slice3A_327 = vector.extract_strided_slice %slice3A_11 {offsets = [0, 640], sizes = [1, 1408], strides = [1, 1]} : vector<1x2048xf32> to vector<1x1408xf32>
    %slice3A_328 = vector.extract_strided_slice %mul3A {offsets = [0, 640], sizes = [1, 1408], strides = [1, 1]} : vector<1x2048xf32> to vector<1x1408xf32>
    %min3A_329 = vector.broadcast %slice3A_319 : vector<128x1xf32> to vector<128x1408xf32>
    %min3A_330 = vector.broadcast %slice3A_326 : vector<1x1408xf32> to vector<128x1408xf32>
    %min3A_331 = arith.minimumf %min3A_329, %min3A_330 : vector<128x1408xf32>
    %max3A_332 = vector.broadcast %slice3A_317 : vector<128x1xf32> to vector<128x1408xf32>
    %max3A_333 = vector.broadcast %slice3A_324 : vector<1x1408xf32> to vector<128x1408xf32>
    %max3A_334 = arith.maximumf %max3A_332, %max3A_333 : vector<128x1408xf32>
    %sub3A_335 = arith.subf %min3A_331, %max3A_334 : vector<128x1408xf32>
    %max3A_336 = arith.constant 0.000000e+00 : f32
    %max3A_337 = vector.broadcast %max3A_336 : f32 to vector<128x1408xf32>
    %max3A_338 = arith.maximumf %sub3A_335, %max3A_337 : vector<128x1408xf32>
    %min3A_339 = vector.broadcast %slice3A_320 : vector<128x1xf32> to vector<128x1408xf32>
    %min3A_340 = vector.broadcast %slice3A_327 : vector<1x1408xf32> to vector<128x1408xf32>
    %min3A_341 = arith.minimumf %min3A_339, %min3A_340 : vector<128x1408xf32>
    %max3A_342 = vector.broadcast %slice3A_318 : vector<128x1xf32> to vector<128x1408xf32>
    %max3A_343 = vector.broadcast %slice3A_325 : vector<1x1408xf32> to vector<128x1408xf32>
    %max3A_344 = arith.maximumf %max3A_342, %max3A_343 : vector<128x1408xf32>
    %sub3A_345 = arith.subf %min3A_341, %max3A_344 : vector<128x1408xf32>
    %max3A_346 = arith.constant 0.000000e+00 : f32
    %max3A_347 = vector.broadcast %max3A_346 : f32 to vector<128x1408xf32>
    %max3A_348 = arith.maximumf %sub3A_345, %max3A_347 : vector<128x1408xf32>
    %mul3A_349 = arith.mulf %max3A_338, %max3A_348 : vector<128x1408xf32>
    %add3A_350 = vector.broadcast %mul3A_323 : vector<128x1xf32> to vector<128x1408xf32>
    %add3A_351 = vector.broadcast %slice3A_328 : vector<1x1408xf32> to vector<128x1408xf32>
    %add3A_352 = arith.addf %add3A_350, %add3A_351 : vector<128x1408xf32>
    %sub3A_353 = arith.subf %add3A_352, %mul3A_349 : vector<128x1408xf32>
    %max3A_354 = arith.constant 9.99999971E-10 : f32
    %max3A_355 = vector.broadcast %max3A_354 : f32 to vector<128x1408xf32>
    %max3A_356 = arith.maximumf %sub3A_353, %max3A_355 : vector<128x1408xf32>
    %div3A_357 = arith.divf %mul3A_349, %max3A_356 : vector<128x1408xf32>
    %iota3A_358 = tpu.iota {dimensions = array<i32: 1>} : vector<1x1408xi32>
    %iota3A_359 = tpu.iota {dimensions = array<i32: 0>} : vector<128x1xi32>
    %gt3A_360 = vector.broadcast %iota3A_358 : vector<1x1408xi32> to vector<128x1408xi32>
    %gt3A_361 = vector.broadcast %iota3A_359 : vector<128x1xi32> to vector<128x1408xi32>
    %gt3A_362 = arith.cmpi sgt, %gt3A_360, %gt3A_361 : vector<128x1408xi32>
    %gt3A_363 = arith.constant 0.699999988 : f32
    %gt3A_364 = vector.broadcast %gt3A_363 : f32 to vector<128x1408xf32>
    %gt3A_365 = arith.cmpf ogt, %div3A_357, %gt3A_364 : vector<128x1408xf32>
    %and3A_366 = arith.andi %gt3A_365, %gt3A_362 : vector<128x1408xi1>
    %jit3A_367 = arith.constant 1.000000e+00 : f32
    %jit3A_368 = arith.constant 0.000000e+00 : f32
    %broadcast_in_dim3A_369 = vector.broadcast %jit3A_367 : f32 to vector<128x1408xf32>
    %broadcast_in_dim3A_370 = vector.broadcast %jit3A_368 : f32 to vector<128x1408xf32>
    %select_n3A_371 = arith.select %and3A_366, %broadcast_in_dim3A_369, %broadcast_in_dim3A_370 : vector<128x1408xi1>, vector<128x1408xf32>
    %convert_element_type3A_372 = arith.truncf %select_n3A_371 : vector<128x1408xf32> to vector<128x1408xbf16>
    %swap3A_373 = arith.constant 640 : index
    %swap3A_374 = arith.constant 640 : index
    %swap3A_375 = vector.load %arg4[%swap3A_373, %swap3A_374] : memref<2048x2048xbf16, #tpu.memory_space<vmem>>, vector<128x1408xbf16>
    tpu.vector_store %arg4[%swap3A_373, %swap3A_374], %convert_element_type3A_372 {strides = array<i32>} : memref<2048x2048xbf16, #tpu.memory_space<vmem>>, vector<128x1408xbf16>,
    %broadcast_in_dim3A_376 = arith.constant 0.000000e+00 : bf16
    %broadcast_in_dim3A_377 = vector.broadcast %broadcast_in_dim3A_376 : bf16 to vector<128x640xbf16>
    %swap3A_378 = arith.constant 640 : index
    %swap3A_379 = arith.constant 0 : index
    %swap3A_380 = vector.load %arg4[%swap3A_378, %swap3A_379] : memref<2048x2048xbf16, #tpu.memory_space<vmem>>, vector<128x640xbf16>
    tpu.vector_store %arg4[%swap3A_378, %swap3A_379], %broadcast_in_dim3A_377 {strides = array<i32>} : memref<2048x2048xbf16, #tpu.memory_space<vmem>>, vector<128x640xbf16>,
    %slice3A_381 = vector.extract_strided_slice %get3A_3 {offsets = [768, 0], sizes = [128, 4], strides = [1, 1]} : vector<2048x4xf32> to vector<128x4xf32>
    %slice3A_382 = vector.extract_strided_slice %slice3A_381 {offsets = [0, 0], sizes = [128, 1], strides = [1, 1]} : vector<128x4xf32> to vector<128x1xf32>
    %slice3A_383 = vector.extract_strided_slice %slice3A_381 {offsets = [0, 1], sizes = [128, 1], strides = [1, 1]} : vector<128x4xf32> to vector<128x1xf32>
    %slice3A_384 = vector.extract_strided_slice %slice3A_381 {offsets = [0, 2], sizes = [128, 1], strides = [1, 1]} : vector<128x4xf32> to vector<128x1xf32>
    %slice3A_385 = vector.extract_strided_slice %slice3A_381 {offsets = [0, 3], sizes = [128, 1], strides = [1, 1]} : vector<128x4xf32> to vector<128x1xf32>
    %sub3A_386 = arith.subf %slice3A_384, %slice3A_382 : vector<128x1xf32>
    %sub3A_387 = arith.subf %slice3A_385, %slice3A_383 : vector<128x1xf32>
    %mul3A_388 = arith.mulf %sub3A_386, %sub3A_387 : vector<128x1xf32>
    %slice3A_389 = vector.extract_strided_slice %slice3A {offsets = [0, 768], sizes = [1, 1280], strides = [1, 1]} : vector<1x2048xf32> to vector<1x1280xf32>
    %slice3A_390 = vector.extract_strided_slice %slice3A_9 {offsets = [0, 768], sizes = [1, 1280], strides = [1, 1]} : vector<1x2048xf32> to vector<1x1280xf32>
    %slice3A_391 = vector.extract_strided_slice %slice3A_10 {offsets = [0, 768], sizes = [1, 1280], strides = [1, 1]} : vector<1x2048xf32> to vector<1x1280xf32>
    %slice3A_392 = vector.extract_strided_slice %slice3A_11 {offsets = [0, 768], sizes = [1, 1280], strides = [1, 1]} : vector<1x2048xf32> to vector<1x1280xf32>
    %slice3A_393 = vector.extract_strided_slice %mul3A {offsets = [0, 768], sizes = [1, 1280], strides = [1, 1]} : vector<1x2048xf32> to vector<1x1280xf32>
    %min3A_394 = vector.broadcast %slice3A_384 : vector<128x1xf32> to vector<128x1280xf32>
    %min3A_395 = vector.broadcast %slice3A_391 : vector<1x1280xf32> to vector<128x1280xf32>
    %min3A_396 = arith.minimumf %min3A_394, %min3A_395 : vector<128x1280xf32>
    %max3A_397 = vector.broadcast %slice3A_382 : vector<128x1xf32> to vector<128x1280xf32>
    %max3A_398 = vector.broadcast %slice3A_389 : vector<1x1280xf32> to vector<128x1280xf32>
    %max3A_399 = arith.maximumf %max3A_397, %max3A_398 : vector<128x1280xf32>
    %sub3A_400 = arith.subf %min3A_396, %max3A_399 : vector<128x1280xf32>
    %max3A_401 = arith.constant 0.000000e+00 : f32
    %max3A_402 = vector.broadcast %max3A_401 : f32 to vector<128x1280xf32>
    %max3A_403 = arith.maximumf %sub3A_400, %max3A_402 : vector<128x1280xf32>
    %min3A_404 = vector.broadcast %slice3A_385 : vector<128x1xf32> to vector<128x1280xf32>
    %min3A_405 = vector.broadcast %slice3A_392 : vector<1x1280xf32> to vector<128x1280xf32>
    %min3A_406 = arith.minimumf %min3A_404, %min3A_405 : vector<128x1280xf32>
    %max3A_407 = vector.broadcast %slice3A_383 : vector<128x1xf32> to vector<128x1280xf32>
    %max3A_408 = vector.broadcast %slice3A_390 : vector<1x1280xf32> to vector<128x1280xf32>
    %max3A_409 = arith.maximumf %max3A_407, %max3A_408 : vector<128x1280xf32>
    %sub3A_410 = arith.subf %min3A_406, %max3A_409 : vector<128x1280xf32>
    %max3A_411 = arith.constant 0.000000e+00 : f32
    %max3A_412 = vector.broadcast %max3A_411 : f32 to vector<128x1280xf32>
    %max3A_413 = arith.maximumf %sub3A_410, %max3A_412 : vector<128x1280xf32>
    %mul3A_414 = arith.mulf %max3A_403, %max3A_413 : vector<128x1280xf32>
    %add3A_415 = vector.broadcast %mul3A_388 : vector<128x1xf32> to vector<128x1280xf32>
    %add3A_416 = vector.broadcast %slice3A_393 : vector<1x1280xf32> to vector<128x1280xf32>
    %add3A_417 = arith.addf %add3A_415, %add3A_416 : vector<128x1280xf32>
    %sub3A_418 = arith.subf %add3A_417, %mul3A_414 : vector<128x1280xf32>
    %max3A_419 = arith.constant 9.99999971E-10 : f32
    %max3A_420 = vector.broadcast %max3A_419 : f32 to vector<128x1280xf32>
    %max3A_421 = arith.maximumf %sub3A_418, %max3A_420 : vector<128x1280xf32>
    %div3A_422 = arith.divf %mul3A_414, %max3A_421 : vector<128x1280xf32>
    %iota3A_423 = tpu.iota {dimensions = array<i32: 1>} : vector<1x1280xi32>
    %iota3A_424 = tpu.iota {dimensions = array<i32: 0>} : vector<128x1xi32>
    %gt3A_425 = vector.broadcast %iota3A_423 : vector<1x1280xi32> to vector<128x1280xi32>
    %gt3A_426 = vector.broadcast %iota3A_424 : vector<128x1xi32> to vector<128x1280xi32>
    %gt3A_427 = arith.cmpi sgt, %gt3A_425, %gt3A_426 : vector<128x1280xi32>
    %gt3A_428 = arith.constant 0.699999988 : f32
    %gt3A_429 = vector.broadcast %gt3A_428 : f32 to vector<128x1280xf32>
    %gt3A_430 = arith.cmpf ogt, %div3A_422, %gt3A_429 : vector<128x1280xf32>
    %and3A_431 = arith.andi %gt3A_430, %gt3A_427 : vector<128x1280xi1>
    %jit3A_432 = arith.constant 1.000000e+00 : f32
    %jit3A_433 = arith.constant 0.000000e+00 : f32
    %broadcast_in_dim3A_434 = vector.broadcast %jit3A_432 : f32 to vector<128x1280xf32>
    %broadcast_in_dim3A_435 = vector.broadcast %jit3A_433 : f32 to vector<128x1280xf32>
    %select_n3A_436 = arith.select %and3A_431, %broadcast_in_dim3A_434, %broadcast_in_dim3A_435 : vector<128x1280xi1>, vector<128x1280xf32>
    %convert_element_type3A_437 = arith.truncf %select_n3A_436 : vector<128x1280xf32> to vector<128x1280xbf16>
    %swap3A_438 = arith.constant 768 : index
    %swap3A_439 = arith.constant 768 : index
    %swap3A_440 = vector.load %arg4[%swap3A_438, %swap3A_439] : memref<2048x2048xbf16, #tpu.memory_space<vmem>>, vector<128x1280xbf16>
    tpu.vector_store %arg4[%swap3A_438, %swap3A_439], %convert_element_type3A_437 {strides = array<i32>} : memref<2048x2048xbf16, #tpu.memory_space<vmem>>, vector<128x1280xbf16>,
    %broadcast_in_dim3A_441 = arith.constant 0.000000e+00 : bf16
    %broadcast_in_dim3A_442 = vector.broadcast %broadcast_in_dim3A_441 : bf16 to vector<128x768xbf16>
    %swap3A_443 = arith.constant 768 : index
    %swap3A_444 = arith.constant 0 : index
    %swap3A_445 = vector.load %arg4[%swap3A_443, %swap3A_444] : memref<2048x2048xbf16, #tpu.memory_space<vmem>>, vector<128x768xbf16>
    tpu.vector_store %arg4[%swap3A_443, %swap3A_444], %broadcast_in_dim3A_442 {strides = array<i32>} : memref<2048x2048xbf16, #tpu.memory_space<vmem>>, vector<128x768xbf16>,
    %slice3A_446 = vector.extract_strided_slice %get3A_3 {offsets = [896, 0], sizes = [128, 4], strides = [1, 1]} : vector<2048x4xf32> to vector<128x4xf32>
    %slice3A_447 = vector.extract_strided_slice %slice3A_446 {offsets = [0, 0], sizes = [128, 1], strides = [1, 1]} : vector<128x4xf32> to vector<128x1xf32>
    %slice3A_448 = vector.extract_strided_slice %slice3A_446 {offsets = [0, 1], sizes = [128, 1], strides = [1, 1]} : vector<128x4xf32> to vector<128x1xf32>
    %slice3A_449 = vector.extract_strided_slice %slice3A_446 {offsets = [0, 2], sizes = [128, 1], strides = [1, 1]} : vector<128x4xf32> to vector<128x1xf32>
    %slice3A_450 = vector.extract_strided_slice %slice3A_446 {offsets = [0, 3], sizes = [128, 1], strides = [1, 1]} : vector<128x4xf32> to vector<128x1xf32>
    %sub3A_451 = arith.subf %slice3A_449, %slice3A_447 : vector<128x1xf32>
    %sub3A_452 = arith.subf %slice3A_450, %slice3A_448 : vector<128x1xf32>
    %mul3A_453 = arith.mulf %sub3A_451, %sub3A_452 : vector<128x1xf32>
    %slice3A_454 = vector.extract_strided_slice %slice3A {offsets = [0, 896], sizes = [1, 1152], strides = [1, 1]} : vector<1x2048xf32> to vector<1x1152xf32>
    %slice3A_455 = vector.extract_strided_slice %slice3A_9 {offsets = [0, 896], sizes = [1, 1152], strides = [1, 1]} : vector<1x2048xf32> to vector<1x1152xf32>
    %slice3A_456 = vector.extract_strided_slice %slice3A_10 {offsets = [0, 896], sizes = [1, 1152], strides = [1, 1]} : vector<1x2048xf32> to vector<1x1152xf32>
    %slice3A_457 = vector.extract_strided_slice %slice3A_11 {offsets = [0, 896], sizes = [1, 1152], strides = [1, 1]} : vector<1x2048xf32> to vector<1x1152xf32>
    %slice3A_458 = vector.extract_strided_slice %mul3A {offsets = [0, 896], sizes = [1, 1152], strides = [1, 1]} : vector<1x2048xf32> to vector<1x1152xf32>
    %min3A_459 = vector.broadcast %slice3A_449 : vector<128x1xf32> to vector<128x1152xf32>
    %min3A_460 = vector.broadcast %slice3A_456 : vector<1x1152xf32> to vector<128x1152xf32>
    %min3A_461 = arith.minimumf %min3A_459, %min3A_460 : vector<128x1152xf32>
    %max3A_462 = vector.broadcast %slice3A_447 : vector<128x1xf32> to vector<128x1152xf32>
    %max3A_463 = vector.broadcast %slice3A_454 : vector<1x1152xf32> to vector<128x1152xf32>
    %max3A_464 = arith.maximumf %max3A_462, %max3A_463 : vector<128x1152xf32>
    %sub3A_465 = arith.subf %min3A_461, %max3A_464 : vector<128x1152xf32>
    %max3A_466 = arith.constant 0.000000e+00 : f32
    %max3A_467 = vector.broadcast %max3A_466 : f32 to vector<128x1152xf32>
    %max3A_468 = arith.maximumf %sub3A_465, %max3A_467 : vector<128x1152xf32>
    %min3A_469 = vector.broadcast %slice3A_450 : vector<128x1xf32> to vector<128x1152xf32>
    %min3A_470 = vector.broadcast %slice3A_457 : vector<1x1152xf32> to vector<128x1152xf32>
    %min3A_471 = arith.minimumf %min3A_469, %min3A_470 : vector<128x1152xf32>
    %max3A_472 = vector.broadcast %slice3A_448 : vector<128x1xf32> to vector<128x1152xf32>
    %max3A_473 = vector.broadcast %slice3A_455 : vector<1x1152xf32> to vector<128x1152xf32>
    %max3A_474 = arith.maximumf %max3A_472, %max3A_473 : vector<128x1152xf32>
    %sub3A_475 = arith.subf %min3A_471, %max3A_474 : vector<128x1152xf32>
    %max3A_476 = arith.constant 0.000000e+00 : f32
    %max3A_477 = vector.broadcast %max3A_476 : f32 to vector<128x1152xf32>
    %max3A_478 = arith.maximumf %sub3A_475, %max3A_477 : vector<128x1152xf32>
    %mul3A_479 = arith.mulf %max3A_468, %max3A_478 : vector<128x1152xf32>
    %add3A_480 = vector.broadcast %mul3A_453 : vector<128x1xf32> to vector<128x1152xf32>
    %add3A_481 = vector.broadcast %slice3A_458 : vector<1x1152xf32> to vector<128x1152xf32>
    %add3A_482 = arith.addf %add3A_480, %add3A_481 : vector<128x1152xf32>
    %sub3A_483 = arith.subf %add3A_482, %mul3A_479 : vector<128x1152xf32>
    %max3A_484 = arith.constant 9.99999971E-10 : f32
    %max3A_485 = vector.broadcast %max3A_484 : f32 to vector<128x1152xf32>
    %max3A_486 = arith.maximumf %sub3A_483, %max3A_485 : vector<128x1152xf32>
    %div3A_487 = arith.divf %mul3A_479, %max3A_486 : vector<128x1152xf32>
    %iota3A_488 = tpu.iota {dimensions = array<i32: 1>} : vector<1x1152xi32>
    %iota3A_489 = tpu.iota {dimensions = array<i32: 0>} : vector<128x1xi32>
    %gt3A_490 = vector.broadcast %iota3A_488 : vector<1x1152xi32> to vector<128x1152xi32>
    %gt3A_491 = vector.broadcast %iota3A_489 : vector<128x1xi32> to vector<128x1152xi32>
    %gt3A_492 = arith.cmpi sgt, %gt3A_490, %gt3A_491 : vector<128x1152xi32>
    %gt3A_493 = arith.constant 0.699999988 : f32
    %gt3A_494 = vector.broadcast %gt3A_493 : f32 to vector<128x1152xf32>
    %gt3A_495 = arith.cmpf ogt, %div3A_487, %gt3A_494 : vector<128x1152xf32>
    %and3A_496 = arith.andi %gt3A_495, %gt3A_492 : vector<128x1152xi1>
    %jit3A_497 = arith.constant 1.000000e+00 : f32
    %jit3A_498 = arith.constant 0.000000e+00 : f32
    %broadcast_in_dim3A_499 = vector.broadcast %jit3A_497 : f32 to vector<128x1152xf32>
    %broadcast_in_dim3A_500 = vector.broadcast %jit3A_498 : f32 to vector<128x1152xf32>
    %select_n3A_501 = arith.select %and3A_496, %broadcast_in_dim3A_499, %broadcast_in_dim3A_500 : vector<128x1152xi1>, vector<128x1152xf32>
    %convert_element_type3A_502 = arith.truncf %select_n3A_501 : vector<128x1152xf32> to vector<128x1152xbf16>
    %swap3A_503 = arith.constant 896 : index
    %swap3A_504 = arith.constant 896 : index
    %swap3A_505 = vector.load %arg4[%swap3A_503, %swap3A_504] : memref<2048x2048xbf16, #tpu.memory_space<vmem>>, vector<128x1152xbf16>
    tpu.vector_store %arg4[%swap3A_503, %swap3A_504], %convert_element_type3A_502 {strides = array<i32>} : memref<2048x2048xbf16, #tpu.memory_space<vmem>>, vector<128x1152xbf16>,
    %broadcast_in_dim3A_506 = arith.constant 0.000000e+00 : bf16
    %broadcast_in_dim3A_507 = vector.broadcast %broadcast_in_dim3A_506 : bf16 to vector<128x896xbf16>
    %swap3A_508 = arith.constant 896 : index
    %swap3A_509 = arith.constant 0 : index
    %swap3A_510 = vector.load %arg4[%swap3A_508, %swap3A_509] : memref<2048x2048xbf16, #tpu.memory_space<vmem>>, vector<128x896xbf16>
    tpu.vector_store %arg4[%swap3A_508, %swap3A_509], %broadcast_in_dim3A_507 {strides = array<i32>} : memref<2048x2048xbf16, #tpu.memory_space<vmem>>, vector<128x896xbf16>,
    %slice3A_511 = vector.extract_strided_slice %get3A_3 {offsets = [1024, 0], sizes = [128, 4], strides = [1, 1]} : vector<2048x4xf32> to vector<128x4xf32>
    %slice3A_512 = vector.extract_strided_slice %slice3A_511 {offsets = [0, 0], sizes = [128, 1], strides = [1, 1]} : vector<128x4xf32> to vector<128x1xf32>
    %slice3A_513 = vector.extract_strided_slice %slice3A_511 {offsets = [0, 1], sizes = [128, 1], strides = [1, 1]} : vector<128x4xf32> to vector<128x1xf32>
    %slice3A_514 = vector.extract_strided_slice %slice3A_511 {offsets = [0, 2], sizes = [128, 1], strides = [1, 1]} : vector<128x4xf32> to vector<128x1xf32>
    %slice3A_515 = vector.extract_strided_slice %slice3A_511 {offsets = [0, 3], sizes = [128, 1], strides = [1, 1]} : vector<128x4xf32> to vector<128x1xf32>
    %sub3A_516 = arith.subf %slice3A_514, %slice3A_512 : vector<128x1xf32>
    %sub3A_517 = arith.subf %slice3A_515, %slice3A_513 : vector<128x1xf32>
    %mul3A_518 = arith.mulf %sub3A_516, %sub3A_517 : vector<128x1xf32>
    %slice3A_519 = vector.extract_strided_slice %slice3A {offsets = [0, 1024], sizes = [1, 1024], strides = [1, 1]} : vector<1x2048xf32> to vector<1x1024xf32>
    %slice3A_520 = vector.extract_strided_slice %slice3A_9 {offsets = [0, 1024], sizes = [1, 1024], strides = [1, 1]} : vector<1x2048xf32> to vector<1x1024xf32>
    %slice3A_521 = vector.extract_strided_slice %slice3A_10 {offsets = [0, 1024], sizes = [1, 1024], strides = [1, 1]} : vector<1x2048xf32> to vector<1x1024xf32>
    %slice3A_522 = vector.extract_strided_slice %slice3A_11 {offsets = [0, 1024], sizes = [1, 1024], strides = [1, 1]} : vector<1x2048xf32> to vector<1x1024xf32>
    %slice3A_523 = vector.extract_strided_slice %mul3A {offsets = [0, 1024], sizes = [1, 1024], strides = [1, 1]} : vector<1x2048xf32> to vector<1x1024xf32>
    %min3A_524 = vector.broadcast %slice3A_514 : vector<128x1xf32> to vector<128x1024xf32>
    %min3A_525 = vector.broadcast %slice3A_521 : vector<1x1024xf32> to vector<128x1024xf32>
    %min3A_526 = arith.minimumf %min3A_524, %min3A_525 : vector<128x1024xf32>
    %max3A_527 = vector.broadcast %slice3A_512 : vector<128x1xf32> to vector<128x1024xf32>
    %max3A_528 = vector.broadcast %slice3A_519 : vector<1x1024xf32> to vector<128x1024xf32>
    %max3A_529 = arith.maximumf %max3A_527, %max3A_528 : vector<128x1024xf32>
    %sub3A_530 = arith.subf %min3A_526, %max3A_529 : vector<128x1024xf32>
    %max3A_531 = arith.constant 0.000000e+00 : f32
    %max3A_532 = vector.broadcast %max3A_531 : f32 to vector<128x1024xf32>
    %max3A_533 = arith.maximumf %sub3A_530, %max3A_532 : vector<128x1024xf32>
    %min3A_534 = vector.broadcast %slice3A_515 : vector<128x1xf32> to vector<128x1024xf32>
    %min3A_535 = vector.broadcast %slice3A_522 : vector<1x1024xf32> to vector<128x1024xf32>
    %min3A_536 = arith.minimumf %min3A_534, %min3A_535 : vector<128x1024xf32>
    %max3A_537 = vector.broadcast %slice3A_513 : vector<128x1xf32> to vector<128x1024xf32>
    %max3A_538 = vector.broadcast %slice3A_520 : vector<1x1024xf32> to vector<128x1024xf32>
    %max3A_539 = arith.maximumf %max3A_537, %max3A_538 : vector<128x1024xf32>
    %sub3A_540 = arith.subf %min3A_536, %max3A_539 : vector<128x1024xf32>
    %max3A_541 = arith.constant 0.000000e+00 : f32
    %max3A_542 = vector.broadcast %max3A_541 : f32 to vector<128x1024xf32>
    %max3A_543 = arith.maximumf %sub3A_540, %max3A_542 : vector<128x1024xf32>
    %mul3A_544 = arith.mulf %max3A_533, %max3A_543 : vector<128x1024xf32>
    %add3A_545 = vector.broadcast %mul3A_518 : vector<128x1xf32> to vector<128x1024xf32>
    %add3A_546 = vector.broadcast %slice3A_523 : vector<1x1024xf32> to vector<128x1024xf32>
    %add3A_547 = arith.addf %add3A_545, %add3A_546 : vector<128x1024xf32>
    %sub3A_548 = arith.subf %add3A_547, %mul3A_544 : vector<128x1024xf32>
    %max3A_549 = arith.constant 9.99999971E-10 : f32
    %max3A_550 = vector.broadcast %max3A_549 : f32 to vector<128x1024xf32>
    %max3A_551 = arith.maximumf %sub3A_548, %max3A_550 : vector<128x1024xf32>
    %div3A_552 = arith.divf %mul3A_544, %max3A_551 : vector<128x1024xf32>
    %iota3A_553 = tpu.iota {dimensions = array<i32: 1>} : vector<1x1024xi32>
    %iota3A_554 = tpu.iota {dimensions = array<i32: 0>} : vector<128x1xi32>
    %gt3A_555 = vector.broadcast %iota3A_553 : vector<1x1024xi32> to vector<128x1024xi32>
    %gt3A_556 = vector.broadcast %iota3A_554 : vector<128x1xi32> to vector<128x1024xi32>
    %gt3A_557 = arith.cmpi sgt, %gt3A_555, %gt3A_556 : vector<128x1024xi32>
    %gt3A_558 = arith.constant 0.699999988 : f32
    %gt3A_559 = vector.broadcast %gt3A_558 : f32 to vector<128x1024xf32>
    %gt3A_560 = arith.cmpf ogt, %div3A_552, %gt3A_559 : vector<128x1024xf32>
    %and3A_561 = arith.andi %gt3A_560, %gt3A_557 : vector<128x1024xi1>
    %jit3A_562 = arith.constant 1.000000e+00 : f32
    %jit3A_563 = arith.constant 0.000000e+00 : f32
    %broadcast_in_dim3A_564 = vector.broadcast %jit3A_562 : f32 to vector<128x1024xf32>
    %broadcast_in_dim3A_565 = vector.broadcast %jit3A_563 : f32 to vector<128x1024xf32>
    %select_n3A_566 = arith.select %and3A_561, %broadcast_in_dim3A_564, %broadcast_in_dim3A_565 : vector<128x1024xi1>, vector<128x1024xf32>
    %convert_element_type3A_567 = arith.truncf %select_n3A_566 : vector<128x1024xf32> to vector<128x1024xbf16>
    %swap3A_568 = arith.constant 1024 : index
    %swap3A_569 = arith.constant 1024 : index
    %swap3A_570 = vector.load %arg4[%swap3A_568, %swap3A_569] : memref<2048x2048xbf16, #tpu.memory_space<vmem>>, vector<128x1024xbf16>
    tpu.vector_store %arg4[%swap3A_568, %swap3A_569], %convert_element_type3A_567 {strides = array<i32>} : memref<2048x2048xbf16, #tpu.memory_space<vmem>>, vector<128x1024xbf16>,
    %broadcast_in_dim3A_571 = arith.constant 0.000000e+00 : bf16
    %broadcast_in_dim3A_572 = vector.broadcast %broadcast_in_dim3A_571 : bf16 to vector<128x1024xbf16>
    %swap3A_573 = arith.constant 1024 : index
    %swap3A_574 = arith.constant 0 : index
    %swap3A_575 = vector.load %arg4[%swap3A_573, %swap3A_574] : memref<2048x2048xbf16, #tpu.memory_space<vmem>>, vector<128x1024xbf16>
    tpu.vector_store %arg4[%swap3A_573, %swap3A_574], %broadcast_in_dim3A_572 {strides = array<i32>} : memref<2048x2048xbf16, #tpu.memory_space<vmem>>, vector<128x1024xbf16>,
    %slice3A_576 = vector.extract_strided_slice %get3A_3 {offsets = [1152, 0], sizes = [128, 4], strides = [1, 1]} : vector<2048x4xf32> to vector<128x4xf32>
    %slice3A_577 = vector.extract_strided_slice %slice3A_576 {offsets = [0, 0], sizes = [128, 1], strides = [1, 1]} : vector<128x4xf32> to vector<128x1xf32>
    %slice3A_578 = vector.extract_strided_slice %slice3A_576 {offsets = [0, 1], sizes = [128, 1], strides = [1, 1]} : vector<128x4xf32> to vector<128x1xf32>
    %slice3A_579 = vector.extract_strided_slice %slice3A_576 {offsets = [0, 2], sizes = [128, 1], strides = [1, 1]} : vector<128x4xf32> to vector<128x1xf32>
    %slice3A_580 = vector.extract_strided_slice %slice3A_576 {offsets = [0, 3], sizes = [128, 1], strides = [1, 1]} : vector<128x4xf32> to vector<128x1xf32>
    %sub3A_581 = arith.subf %slice3A_579, %slice3A_577 : vector<128x1xf32>
    %sub3A_582 = arith.subf %slice3A_580, %slice3A_578 : vector<128x1xf32>
    %mul3A_583 = arith.mulf %sub3A_581, %sub3A_582 : vector<128x1xf32>
    %slice3A_584 = vector.extract_strided_slice %slice3A {offsets = [0, 1152], sizes = [1, 896], strides = [1, 1]} : vector<1x2048xf32> to vector<1x896xf32>
    %slice3A_585 = vector.extract_strided_slice %slice3A_9 {offsets = [0, 1152], sizes = [1, 896], strides = [1, 1]} : vector<1x2048xf32> to vector<1x896xf32>
    %slice3A_586 = vector.extract_strided_slice %slice3A_10 {offsets = [0, 1152], sizes = [1, 896], strides = [1, 1]} : vector<1x2048xf32> to vector<1x896xf32>
    %slice3A_587 = vector.extract_strided_slice %slice3A_11 {offsets = [0, 1152], sizes = [1, 896], strides = [1, 1]} : vector<1x2048xf32> to vector<1x896xf32>
    %slice3A_588 = vector.extract_strided_slice %mul3A {offsets = [0, 1152], sizes = [1, 896], strides = [1, 1]} : vector<1x2048xf32> to vector<1x896xf32>
    %min3A_589 = vector.broadcast %slice3A_579 : vector<128x1xf32> to vector<128x896xf32>
    %min3A_590 = vector.broadcast %slice3A_586 : vector<1x896xf32> to vector<128x896xf32>
    %min3A_591 = arith.minimumf %min3A_589, %min3A_590 : vector<128x896xf32>
    %max3A_592 = vector.broadcast %slice3A_577 : vector<128x1xf32> to vector<128x896xf32>
    %max3A_593 = vector.broadcast %slice3A_584 : vector<1x896xf32> to vector<128x896xf32>
    %max3A_594 = arith.maximumf %max3A_592, %max3A_593 : vector<128x896xf32>
    %sub3A_595 = arith.subf %min3A_591, %max3A_594 : vector<128x896xf32>
    %max3A_596 = arith.constant 0.000000e+00 : f32
    %max3A_597 = vector.broadcast %max3A_596 : f32 to vector<128x896xf32>
    %max3A_598 = arith.maximumf %sub3A_595, %max3A_597 : vector<128x896xf32>
    %min3A_599 = vector.broadcast %slice3A_580 : vector<128x1xf32> to vector<128x896xf32>
    %min3A_600 = vector.broadcast %slice3A_587 : vector<1x896xf32> to vector<128x896xf32>
    %min3A_601 = arith.minimumf %min3A_599, %min3A_600 : vector<128x896xf32>
    %max3A_602 = vector.broadcast %slice3A_578 : vector<128x1xf32> to vector<128x896xf32>
    %max3A_603 = vector.broadcast %slice3A_585 : vector<1x896xf32> to vector<128x896xf32>
    %max3A_604 = arith.maximumf %max3A_602, %max3A_603 : vector<128x896xf32>
    %sub3A_605 = arith.subf %min3A_601, %max3A_604 : vector<128x896xf32>
    %max3A_606 = arith.constant 0.000000e+00 : f32
    %max3A_607 = vector.broadcast %max3A_606 : f32 to vector<128x896xf32>
    %max3A_608 = arith.maximumf %sub3A_605, %max3A_607 : vector<128x896xf32>
    %mul3A_609 = arith.mulf %max3A_598, %max3A_608 : vector<128x896xf32>
    %add3A_610 = vector.broadcast %mul3A_583 : vector<128x1xf32> to vector<128x896xf32>
    %add3A_611 = vector.broadcast %slice3A_588 : vector<1x896xf32> to vector<128x896xf32>
    %add3A_612 = arith.addf %add3A_610, %add3A_611 : vector<128x896xf32>
    %sub3A_613 = arith.subf %add3A_612, %mul3A_609 : vector<128x896xf32>
    %max3A_614 = arith.constant 9.99999971E-10 : f32
    %max3A_615 = vector.broadcast %max3A_614 : f32 to vector<128x896xf32>
    %max3A_616 = arith.maximumf %sub3A_613, %max3A_615 : vector<128x896xf32>
    %div3A_617 = arith.divf %mul3A_609, %max3A_616 : vector<128x896xf32>
    %iota3A_618 = tpu.iota {dimensions = array<i32: 1>} : vector<1x896xi32>
    %iota3A_619 = tpu.iota {dimensions = array<i32: 0>} : vector<128x1xi32>
    %gt3A_620 = vector.broadcast %iota3A_618 : vector<1x896xi32> to vector<128x896xi32>
    %gt3A_621 = vector.broadcast %iota3A_619 : vector<128x1xi32> to vector<128x896xi32>
    %gt3A_622 = arith.cmpi sgt, %gt3A_620, %gt3A_621 : vector<128x896xi32>
    %gt3A_623 = arith.constant 0.699999988 : f32
    %gt3A_624 = vector.broadcast %gt3A_623 : f32 to vector<128x896xf32>
    %gt3A_625 = arith.cmpf ogt, %div3A_617, %gt3A_624 : vector<128x896xf32>
    %and3A_626 = arith.andi %gt3A_625, %gt3A_622 : vector<128x896xi1>
    %jit3A_627 = arith.constant 1.000000e+00 : f32
    %jit3A_628 = arith.constant 0.000000e+00 : f32
    %broadcast_in_dim3A_629 = vector.broadcast %jit3A_627 : f32 to vector<128x896xf32>
    %broadcast_in_dim3A_630 = vector.broadcast %jit3A_628 : f32 to vector<128x896xf32>
    %select_n3A_631 = arith.select %and3A_626, %broadcast_in_dim3A_629, %broadcast_in_dim3A_630 : vector<128x896xi1>, vector<128x896xf32>
    %convert_element_type3A_632 = arith.truncf %select_n3A_631 : vector<128x896xf32> to vector<128x896xbf16>
    %swap3A_633 = arith.constant 1152 : index
    %swap3A_634 = arith.constant 1152 : index
    %swap3A_635 = vector.load %arg4[%swap3A_633, %swap3A_634] : memref<2048x2048xbf16, #tpu.memory_space<vmem>>, vector<128x896xbf16>
    tpu.vector_store %arg4[%swap3A_633, %swap3A_634], %convert_element_type3A_632 {strides = array<i32>} : memref<2048x2048xbf16, #tpu.memory_space<vmem>>, vector<128x896xbf16>,
    %broadcast_in_dim3A_636 = arith.constant 0.000000e+00 : bf16
    %broadcast_in_dim3A_637 = vector.broadcast %broadcast_in_dim3A_636 : bf16 to vector<128x1152xbf16>
    %swap3A_638 = arith.constant 1152 : index
    %swap3A_639 = arith.constant 0 : index
    %swap3A_640 = vector.load %arg4[%swap3A_638, %swap3A_639] : memref<2048x2048xbf16, #tpu.memory_space<vmem>>, vector<128x1152xbf16>
    tpu.vector_store %arg4[%swap3A_638, %swap3A_639], %broadcast_in_dim3A_637 {strides = array<i32>} : memref<2048x2048xbf16, #tpu.memory_space<vmem>>, vector<128x1152xbf16>,
    %slice3A_641 = vector.extract_strided_slice %get3A_3 {offsets = [1280, 0], sizes = [128, 4], strides = [1, 1]} : vector<2048x4xf32> to vector<128x4xf32>
    %slice3A_642 = vector.extract_strided_slice %slice3A_641 {offsets = [0, 0], sizes = [128, 1], strides = [1, 1]} : vector<128x4xf32> to vector<128x1xf32>
    %slice3A_643 = vector.extract_strided_slice %slice3A_641 {offsets = [0, 1], sizes = [128, 1], strides = [1, 1]} : vector<128x4xf32> to vector<128x1xf32>
    %slice3A_644 = vector.extract_strided_slice %slice3A_641 {offsets = [0, 2], sizes = [128, 1], strides = [1, 1]} : vector<128x4xf32> to vector<128x1xf32>
    %slice3A_645 = vector.extract_strided_slice %slice3A_641 {offsets = [0, 3], sizes = [128, 1], strides = [1, 1]} : vector<128x4xf32> to vector<128x1xf32>
    %sub3A_646 = arith.subf %slice3A_644, %slice3A_642 : vector<128x1xf32>
    %sub3A_647 = arith.subf %slice3A_645, %slice3A_643 : vector<128x1xf32>
    %mul3A_648 = arith.mulf %sub3A_646, %sub3A_647 : vector<128x1xf32>
    %slice3A_649 = vector.extract_strided_slice %slice3A {offsets = [0, 1280], sizes = [1, 768], strides = [1, 1]} : vector<1x2048xf32> to vector<1x768xf32>
    %slice3A_650 = vector.extract_strided_slice %slice3A_9 {offsets = [0, 1280], sizes = [1, 768], strides = [1, 1]} : vector<1x2048xf32> to vector<1x768xf32>
    %slice3A_651 = vector.extract_strided_slice %slice3A_10 {offsets = [0, 1280], sizes = [1, 768], strides = [1, 1]} : vector<1x2048xf32> to vector<1x768xf32>
    %slice3A_652 = vector.extract_strided_slice %slice3A_11 {offsets = [0, 1280], sizes = [1, 768], strides = [1, 1]} : vector<1x2048xf32> to vector<1x768xf32>
    %slice3A_653 = vector.extract_strided_slice %mul3A {offsets = [0, 1280], sizes = [1, 768], strides = [1, 1]} : vector<1x2048xf32> to vector<1x768xf32>
    %min3A_654 = vector.broadcast %slice3A_644 : vector<128x1xf32> to vector<128x768xf32>
    %min3A_655 = vector.broadcast %slice3A_651 : vector<1x768xf32> to vector<128x768xf32>
    %min3A_656 = arith.minimumf %min3A_654, %min3A_655 : vector<128x768xf32>
    %max3A_657 = vector.broadcast %slice3A_642 : vector<128x1xf32> to vector<128x768xf32>
    %max3A_658 = vector.broadcast %slice3A_649 : vector<1x768xf32> to vector<128x768xf32>
    %max3A_659 = arith.maximumf %max3A_657, %max3A_658 : vector<128x768xf32>
    %sub3A_660 = arith.subf %min3A_656, %max3A_659 : vector<128x768xf32>
    %max3A_661 = arith.constant 0.000000e+00 : f32
    %max3A_662 = vector.broadcast %max3A_661 : f32 to vector<128x768xf32>
    %max3A_663 = arith.maximumf %sub3A_660, %max3A_662 : vector<128x768xf32>
    %min3A_664 = vector.broadcast %slice3A_645 : vector<128x1xf32> to vector<128x768xf32>
    %min3A_665 = vector.broadcast %slice3A_652 : vector<1x768xf32> to vector<128x768xf32>
    %min3A_666 = arith.minimumf %min3A_664, %min3A_665 : vector<128x768xf32>
    %max3A_667 = vector.broadcast %slice3A_643 : vector<128x1xf32> to vector<128x768xf32>
    %max3A_668 = vector.broadcast %slice3A_650 : vector<1x768xf32> to vector<128x768xf32>
    %max3A_669 = arith.maximumf %max3A_667, %max3A_668 : vector<128x768xf32>
    %sub3A_670 = arith.subf %min3A_666, %max3A_669 : vector<128x768xf32>
    %max3A_671 = arith.constant 0.000000e+00 : f32
    %max3A_672 = vector.broadcast %max3A_671 : f32 to vector<128x768xf32>
    %max3A_673 = arith.maximumf %sub3A_670, %max3A_672 : vector<128x768xf32>
    %mul3A_674 = arith.mulf %max3A_663, %max3A_673 : vector<128x768xf32>
    %add3A_675 = vector.broadcast %mul3A_648 : vector<128x1xf32> to vector<128x768xf32>
    %add3A_676 = vector.broadcast %slice3A_653 : vector<1x768xf32> to vector<128x768xf32>
    %add3A_677 = arith.addf %add3A_675, %add3A_676 : vector<128x768xf32>
    %sub3A_678 = arith.subf %add3A_677, %mul3A_674 : vector<128x768xf32>
    %max3A_679 = arith.constant 9.99999971E-10 : f32
    %max3A_680 = vector.broadcast %max3A_679 : f32 to vector<128x768xf32>
    %max3A_681 = arith.maximumf %sub3A_678, %max3A_680 : vector<128x768xf32>
    %div3A_682 = arith.divf %mul3A_674, %max3A_681 : vector<128x768xf32>
    %iota3A_683 = tpu.iota {dimensions = array<i32: 1>} : vector<1x768xi32>
    %iota3A_684 = tpu.iota {dimensions = array<i32: 0>} : vector<128x1xi32>
    %gt3A_685 = vector.broadcast %iota3A_683 : vector<1x768xi32> to vector<128x768xi32>
    %gt3A_686 = vector.broadcast %iota3A_684 : vector<128x1xi32> to vector<128x768xi32>
    %gt3A_687 = arith.cmpi sgt, %gt3A_685, %gt3A_686 : vector<128x768xi32>
    %gt3A_688 = arith.constant 0.699999988 : f32
    %gt3A_689 = vector.broadcast %gt3A_688 : f32 to vector<128x768xf32>
    %gt3A_690 = arith.cmpf ogt, %div3A_682, %gt3A_689 : vector<128x768xf32>
    %and3A_691 = arith.andi %gt3A_690, %gt3A_687 : vector<128x768xi1>
    %jit3A_692 = arith.constant 1.000000e+00 : f32
    %jit3A_693 = arith.constant 0.000000e+00 : f32
    %broadcast_in_dim3A_694 = vector.broadcast %jit3A_692 : f32 to vector<128x768xf32>
    %broadcast_in_dim3A_695 = vector.broadcast %jit3A_693 : f32 to vector<128x768xf32>
    %select_n3A_696 = arith.select %and3A_691, %broadcast_in_dim3A_694, %broadcast_in_dim3A_695 : vector<128x768xi1>, vector<128x768xf32>
    %convert_element_type3A_697 = arith.truncf %select_n3A_696 : vector<128x768xf32> to vector<128x768xbf16>
    %swap3A_698 = arith.constant 1280 : index
    %swap3A_699 = arith.constant 1280 : index
    %swap3A_700 = vector.load %arg4[%swap3A_698, %swap3A_699] : memref<2048x2048xbf16, #tpu.memory_space<vmem>>, vector<128x768xbf16>
    tpu.vector_store %arg4[%swap3A_698, %swap3A_699], %convert_element_type3A_697 {strides = array<i32>} : memref<2048x2048xbf16, #tpu.memory_space<vmem>>, vector<128x768xbf16>,
    %broadcast_in_dim3A_701 = arith.constant 0.000000e+00 : bf16
    %broadcast_in_dim3A_702 = vector.broadcast %broadcast_in_dim3A_701 : bf16 to vector<128x1280xbf16>
    %swap3A_703 = arith.constant 1280 : index
    %swap3A_704 = arith.constant 0 : index
    %swap3A_705 = vector.load %arg4[%swap3A_703, %swap3A_704] : memref<2048x2048xbf16, #tpu.memory_space<vmem>>, vector<128x1280xbf16>
    tpu.vector_store %arg4[%swap3A_703, %swap3A_704], %broadcast_in_dim3A_702 {strides = array<i32>} : memref<2048x2048xbf16, #tpu.memory_space<vmem>>, vector<128x1280xbf16>,
    %slice3A_706 = vector.extract_strided_slice %get3A_3 {offsets = [1408, 0], sizes = [128, 4], strides = [1, 1]} : vector<2048x4xf32> to vector<128x4xf32>
    %slice3A_707 = vector.extract_strided_slice %slice3A_706 {offsets = [0, 0], sizes = [128, 1], strides = [1, 1]} : vector<128x4xf32> to vector<128x1xf32>
    %slice3A_708 = vector.extract_strided_slice %slice3A_706 {offsets = [0, 1], sizes = [128, 1], strides = [1, 1]} : vector<128x4xf32> to vector<128x1xf32>
    %slice3A_709 = vector.extract_strided_slice %slice3A_706 {offsets = [0, 2], sizes = [128, 1], strides = [1, 1]} : vector<128x4xf32> to vector<128x1xf32>
    %slice3A_710 = vector.extract_strided_slice %slice3A_706 {offsets = [0, 3], sizes = [128, 1], strides = [1, 1]} : vector<128x4xf32> to vector<128x1xf32>
    %sub3A_711 = arith.subf %slice3A_709, %slice3A_707 : vector<128x1xf32>
    %sub3A_712 = arith.subf %slice3A_710, %slice3A_708 : vector<128x1xf32>
    %mul3A_713 = arith.mulf %sub3A_711, %sub3A_712 : vector<128x1xf32>
    %slice3A_714 = vector.extract_strided_slice %slice3A {offsets = [0, 1408], sizes = [1, 640], strides = [1, 1]} : vector<1x2048xf32> to vector<1x640xf32>
    %slice3A_715 = vector.extract_strided_slice %slice3A_9 {offsets = [0, 1408], sizes = [1, 640], strides = [1, 1]} : vector<1x2048xf32> to vector<1x640xf32>
    %slice3A_716 = vector.extract_strided_slice %slice3A_10 {offsets = [0, 1408], sizes = [1, 640], strides = [1, 1]} : vector<1x2048xf32> to vector<1x640xf32>
    %slice3A_717 = vector.extract_strided_slice %slice3A_11 {offsets = [0, 1408], sizes = [1, 640], strides = [1, 1]} : vector<1x2048xf32> to vector<1x640xf32>
    %slice3A_718 = vector.extract_strided_slice %mul3A {offsets = [0, 1408], sizes = [1, 640], strides = [1, 1]} : vector<1x2048xf32> to vector<1x640xf32>
    %min3A_719 = vector.broadcast %slice3A_709 : vector<128x1xf32> to vector<128x640xf32>
    %min3A_720 = vector.broadcast %slice3A_716 : vector<1x640xf32> to vector<128x640xf32>
    %min3A_721 = arith.minimumf %min3A_719, %min3A_720 : vector<128x640xf32>
    %max3A_722 = vector.broadcast %slice3A_707 : vector<128x1xf32> to vector<128x640xf32>
    %max3A_723 = vector.broadcast %slice3A_714 : vector<1x640xf32> to vector<128x640xf32>
    %max3A_724 = arith.maximumf %max3A_722, %max3A_723 : vector<128x640xf32>
    %sub3A_725 = arith.subf %min3A_721, %max3A_724 : vector<128x640xf32>
    %max3A_726 = arith.constant 0.000000e+00 : f32
    %max3A_727 = vector.broadcast %max3A_726 : f32 to vector<128x640xf32>
    %max3A_728 = arith.maximumf %sub3A_725, %max3A_727 : vector<128x640xf32>
    %min3A_729 = vector.broadcast %slice3A_710 : vector<128x1xf32> to vector<128x640xf32>
    %min3A_730 = vector.broadcast %slice3A_717 : vector<1x640xf32> to vector<128x640xf32>
    %min3A_731 = arith.minimumf %min3A_729, %min3A_730 : vector<128x640xf32>
    %max3A_732 = vector.broadcast %slice3A_708 : vector<128x1xf32> to vector<128x640xf32>
    %max3A_733 = vector.broadcast %slice3A_715 : vector<1x640xf32> to vector<128x640xf32>
    %max3A_734 = arith.maximumf %max3A_732, %max3A_733 : vector<128x640xf32>
    %sub3A_735 = arith.subf %min3A_731, %max3A_734 : vector<128x640xf32>
    %max3A_736 = arith.constant 0.000000e+00 : f32
    %max3A_737 = vector.broadcast %max3A_736 : f32 to vector<128x640xf32>
    %max3A_738 = arith.maximumf %sub3A_735, %max3A_737 : vector<128x640xf32>
    %mul3A_739 = arith.mulf %max3A_728, %max3A_738 : vector<128x640xf32>
    %add3A_740 = vector.broadcast %mul3A_713 : vector<128x1xf32> to vector<128x640xf32>
    %add3A_741 = vector.broadcast %slice3A_718 : vector<1x640xf32> to vector<128x640xf32>
    %add3A_742 = arith.addf %add3A_740, %add3A_741 : vector<128x640xf32>
    %sub3A_743 = arith.subf %add3A_742, %mul3A_739 : vector<128x640xf32>
    %max3A_744 = arith.constant 9.99999971E-10 : f32
    %max3A_745 = vector.broadcast %max3A_744 : f32 to vector<128x640xf32>
    %max3A_746 = arith.maximumf %sub3A_743, %max3A_745 : vector<128x640xf32>
    %div3A_747 = arith.divf %mul3A_739, %max3A_746 : vector<128x640xf32>
    %iota3A_748 = tpu.iota {dimensions = array<i32: 1>} : vector<1x640xi32>
    %iota3A_749 = tpu.iota {dimensions = array<i32: 0>} : vector<128x1xi32>
    %gt3A_750 = vector.broadcast %iota3A_748 : vector<1x640xi32> to vector<128x640xi32>
    %gt3A_751 = vector.broadcast %iota3A_749 : vector<128x1xi32> to vector<128x640xi32>
    %gt3A_752 = arith.cmpi sgt, %gt3A_750, %gt3A_751 : vector<128x640xi32>
    %gt3A_753 = arith.constant 0.699999988 : f32
    %gt3A_754 = vector.broadcast %gt3A_753 : f32 to vector<128x640xf32>
    %gt3A_755 = arith.cmpf ogt, %div3A_747, %gt3A_754 : vector<128x640xf32>
    %and3A_756 = arith.andi %gt3A_755, %gt3A_752 : vector<128x640xi1>
    %jit3A_757 = arith.constant 1.000000e+00 : f32
    %jit3A_758 = arith.constant 0.000000e+00 : f32
    %broadcast_in_dim3A_759 = vector.broadcast %jit3A_757 : f32 to vector<128x640xf32>
    %broadcast_in_dim3A_760 = vector.broadcast %jit3A_758 : f32 to vector<128x640xf32>
    %select_n3A_761 = arith.select %and3A_756, %broadcast_in_dim3A_759, %broadcast_in_dim3A_760 : vector<128x640xi1>, vector<128x640xf32>
    %convert_element_type3A_762 = arith.truncf %select_n3A_761 : vector<128x640xf32> to vector<128x640xbf16>
    %swap3A_763 = arith.constant 1408 : index
    %swap3A_764 = arith.constant 1408 : index
    %swap3A_765 = vector.load %arg4[%swap3A_763, %swap3A_764] : memref<2048x2048xbf16, #tpu.memory_space<vmem>>, vector<128x640xbf16>
    tpu.vector_store %arg4[%swap3A_763, %swap3A_764], %convert_element_type3A_762 {strides = array<i32>} : memref<2048x2048xbf16, #tpu.memory_space<vmem>>, vector<128x640xbf16>,
    %broadcast_in_dim3A_766 = arith.constant 0.000000e+00 : bf16
    %broadcast_in_dim3A_767 = vector.broadcast %broadcast_in_dim3A_766 : bf16 to vector<128x1408xbf16>
    %swap3A_768 = arith.constant 1408 : index
    %swap3A_769 = arith.constant 0 : index
    %swap3A_770 = vector.load %arg4[%swap3A_768, %swap3A_769] : memref<2048x2048xbf16, #tpu.memory_space<vmem>>, vector<128x1408xbf16>
    tpu.vector_store %arg4[%swap3A_768, %swap3A_769], %broadcast_in_dim3A_767 {strides = array<i32>} : memref<2048x2048xbf16, #tpu.memory_space<vmem>>, vector<128x1408xbf16>,
    %slice3A_771 = vector.extract_strided_slice %get3A_3 {offsets = [1536, 0], sizes = [128, 4], strides = [1, 1]} : vector<2048x4xf32> to vector<128x4xf32>
    %slice3A_772 = vector.extract_strided_slice %slice3A_771 {offsets = [0, 0], sizes = [128, 1], strides = [1, 1]} : vector<128x4xf32> to vector<128x1xf32>
    %slice3A_773 = vector.extract_strided_slice %slice3A_771 {offsets = [0, 1], sizes = [128, 1], strides = [1, 1]} : vector<128x4xf32> to vector<128x1xf32>
    %slice3A_774 = vector.extract_strided_slice %slice3A_771 {offsets = [0, 2], sizes = [128, 1], strides = [1, 1]} : vector<128x4xf32> to vector<128x1xf32>
    %slice3A_775 = vector.extract_strided_slice %slice3A_771 {offsets = [0, 3], sizes = [128, 1], strides = [1, 1]} : vector<128x4xf32> to vector<128x1xf32>
    %sub3A_776 = arith.subf %slice3A_774, %slice3A_772 : vector<128x1xf32>
    %sub3A_777 = arith.subf %slice3A_775, %slice3A_773 : vector<128x1xf32>
    %mul3A_778 = arith.mulf %sub3A_776, %sub3A_777 : vector<128x1xf32>
    %slice3A_779 = vector.extract_strided_slice %slice3A {offsets = [0, 1536], sizes = [1, 512], strides = [1, 1]} : vector<1x2048xf32> to vector<1x512xf32>
    %slice3A_780 = vector.extract_strided_slice %slice3A_9 {offsets = [0, 1536], sizes = [1, 512], strides = [1, 1]} : vector<1x2048xf32> to vector<1x512xf32>
    %slice3A_781 = vector.extract_strided_slice %slice3A_10 {offsets = [0, 1536], sizes = [1, 512], strides = [1, 1]} : vector<1x2048xf32> to vector<1x512xf32>
    %slice3A_782 = vector.extract_strided_slice %slice3A_11 {offsets = [0, 1536], sizes = [1, 512], strides = [1, 1]} : vector<1x2048xf32> to vector<1x512xf32>
    %slice3A_783 = vector.extract_strided_slice %mul3A {offsets = [0, 1536], sizes = [1, 512], strides = [1, 1]} : vector<1x2048xf32> to vector<1x512xf32>
    %min3A_784 = vector.broadcast %slice3A_774 : vector<128x1xf32> to vector<128x512xf32>
    %min3A_785 = vector.broadcast %slice3A_781 : vector<1x512xf32> to vector<128x512xf32>
    %min3A_786 = arith.minimumf %min3A_784, %min3A_785 : vector<128x512xf32>
    %max3A_787 = vector.broadcast %slice3A_772 : vector<128x1xf32> to vector<128x512xf32>
    %max3A_788 = vector.broadcast %slice3A_779 : vector<1x512xf32> to vector<128x512xf32>
    %max3A_789 = arith.maximumf %max3A_787, %max3A_788 : vector<128x512xf32>
    %sub3A_790 = arith.subf %min3A_786, %max3A_789 : vector<128x512xf32>
    %max3A_791 = arith.constant 0.000000e+00 : f32
    %max3A_792 = vector.broadcast %max3A_791 : f32 to vector<128x512xf32>
    %max3A_793 = arith.maximumf %sub3A_790, %max3A_792 : vector<128x512xf32>
    %min3A_794 = vector.broadcast %slice3A_775 : vector<128x1xf32> to vector<128x512xf32>
    %min3A_795 = vector.broadcast %slice3A_782 : vector<1x512xf32> to vector<128x512xf32>
    %min3A_796 = arith.minimumf %min3A_794, %min3A_795 : vector<128x512xf32>
    %max3A_797 = vector.broadcast %slice3A_773 : vector<128x1xf32> to vector<128x512xf32>
    %max3A_798 = vector.broadcast %slice3A_780 : vector<1x512xf32> to vector<128x512xf32>
    %max3A_799 = arith.maximumf %max3A_797, %max3A_798 : vector<128x512xf32>
    %sub3A_800 = arith.subf %min3A_796, %max3A_799 : vector<128x512xf32>
    %max3A_801 = arith.constant 0.000000e+00 : f32
    %max3A_802 = vector.broadcast %max3A_801 : f32 to vector<128x512xf32>
    %max3A_803 = arith.maximumf %sub3A_800, %max3A_802 : vector<128x512xf32>
    %mul3A_804 = arith.mulf %max3A_793, %max3A_803 : vector<128x512xf32>
    %add3A_805 = vector.broadcast %mul3A_778 : vector<128x1xf32> to vector<128x512xf32>
    %add3A_806 = vector.broadcast %slice3A_783 : vector<1x512xf32> to vector<128x512xf32>
    %add3A_807 = arith.addf %add3A_805, %add3A_806 : vector<128x512xf32>
    %sub3A_808 = arith.subf %add3A_807, %mul3A_804 : vector<128x512xf32>
    %max3A_809 = arith.constant 9.99999971E-10 : f32
    %max3A_810 = vector.broadcast %max3A_809 : f32 to vector<128x512xf32>
    %max3A_811 = arith.maximumf %sub3A_808, %max3A_810 : vector<128x512xf32>
    %div3A_812 = arith.divf %mul3A_804, %max3A_811 : vector<128x512xf32>
    %iota3A_813 = tpu.iota {dimensions = array<i32: 1>} : vector<1x512xi32>
    %iota3A_814 = tpu.iota {dimensions = array<i32: 0>} : vector<128x1xi32>
    %gt3A_815 = vector.broadcast %iota3A_813 : vector<1x512xi32> to vector<128x512xi32>
    %gt3A_816 = vector.broadcast %iota3A_814 : vector<128x1xi32> to vector<128x512xi32>
    %gt3A_817 = arith.cmpi sgt, %gt3A_815, %gt3A_816 : vector<128x512xi32>
    %gt3A_818 = arith.constant 0.699999988 : f32
    %gt3A_819 = vector.broadcast %gt3A_818 : f32 to vector<128x512xf32>
    %gt3A_820 = arith.cmpf ogt, %div3A_812, %gt3A_819 : vector<128x512xf32>
    %and3A_821 = arith.andi %gt3A_820, %gt3A_817 : vector<128x512xi1>
    %jit3A_822 = arith.constant 1.000000e+00 : f32
    %jit3A_823 = arith.constant 0.000000e+00 : f32
    %broadcast_in_dim3A_824 = vector.broadcast %jit3A_822 : f32 to vector<128x512xf32>
    %broadcast_in_dim3A_825 = vector.broadcast %jit3A_823 : f32 to vector<128x512xf32>
    %select_n3A_826 = arith.select %and3A_821, %broadcast_in_dim3A_824, %broadcast_in_dim3A_825 : vector<128x512xi1>, vector<128x512xf32>
    %convert_element_type3A_827 = arith.truncf %select_n3A_826 : vector<128x512xf32> to vector<128x512xbf16>
    %swap3A_828 = arith.constant 1536 : index
    %swap3A_829 = arith.constant 1536 : index
    %swap3A_830 = vector.load %arg4[%swap3A_828, %swap3A_829] : memref<2048x2048xbf16, #tpu.memory_space<vmem>>, vector<128x512xbf16>
    tpu.vector_store %arg4[%swap3A_828, %swap3A_829], %convert_element_type3A_827 {strides = array<i32>} : memref<2048x2048xbf16, #tpu.memory_space<vmem>>, vector<128x512xbf16>,
    %broadcast_in_dim3A_831 = arith.constant 0.000000e+00 : bf16
    %broadcast_in_dim3A_832 = vector.broadcast %broadcast_in_dim3A_831 : bf16 to vector<128x1536xbf16>
    %swap3A_833 = arith.constant 1536 : index
    %swap3A_834 = arith.constant 0 : index
    %swap3A_835 = vector.load %arg4[%swap3A_833, %swap3A_834] : memref<2048x2048xbf16, #tpu.memory_space<vmem>>, vector<128x1536xbf16>
    tpu.vector_store %arg4[%swap3A_833, %swap3A_834], %broadcast_in_dim3A_832 {strides = array<i32>} : memref<2048x2048xbf16, #tpu.memory_space<vmem>>, vector<128x1536xbf16>,
    %slice3A_836 = vector.extract_strided_slice %get3A_3 {offsets = [1664, 0], sizes = [128, 4], strides = [1, 1]} : vector<2048x4xf32> to vector<128x4xf32>
    %slice3A_837 = vector.extract_strided_slice %slice3A_836 {offsets = [0, 0], sizes = [128, 1], strides = [1, 1]} : vector<128x4xf32> to vector<128x1xf32>
    %slice3A_838 = vector.extract_strided_slice %slice3A_836 {offsets = [0, 1], sizes = [128, 1], strides = [1, 1]} : vector<128x4xf32> to vector<128x1xf32>
    %slice3A_839 = vector.extract_strided_slice %slice3A_836 {offsets = [0, 2], sizes = [128, 1], strides = [1, 1]} : vector<128x4xf32> to vector<128x1xf32>
    %slice3A_840 = vector.extract_strided_slice %slice3A_836 {offsets = [0, 3], sizes = [128, 1], strides = [1, 1]} : vector<128x4xf32> to vector<128x1xf32>
    %sub3A_841 = arith.subf %slice3A_839, %slice3A_837 : vector<128x1xf32>
    %sub3A_842 = arith.subf %slice3A_840, %slice3A_838 : vector<128x1xf32>
    %mul3A_843 = arith.mulf %sub3A_841, %sub3A_842 : vector<128x1xf32>
    %slice3A_844 = vector.extract_strided_slice %slice3A {offsets = [0, 1664], sizes = [1, 384], strides = [1, 1]} : vector<1x2048xf32> to vector<1x384xf32>
    %slice3A_845 = vector.extract_strided_slice %slice3A_9 {offsets = [0, 1664], sizes = [1, 384], strides = [1, 1]} : vector<1x2048xf32> to vector<1x384xf32>
    %slice3A_846 = vector.extract_strided_slice %slice3A_10 {offsets = [0, 1664], sizes = [1, 384], strides = [1, 1]} : vector<1x2048xf32> to vector<1x384xf32>
    %slice3A_847 = vector.extract_strided_slice %slice3A_11 {offsets = [0, 1664], sizes = [1, 384], strides = [1, 1]} : vector<1x2048xf32> to vector<1x384xf32>
    %slice3A_848 = vector.extract_strided_slice %mul3A {offsets = [0, 1664], sizes = [1, 384], strides = [1, 1]} : vector<1x2048xf32> to vector<1x384xf32>
    %min3A_849 = vector.broadcast %slice3A_839 : vector<128x1xf32> to vector<128x384xf32>
    %min3A_850 = vector.broadcast %slice3A_846 : vector<1x384xf32> to vector<128x384xf32>
    %min3A_851 = arith.minimumf %min3A_849, %min3A_850 : vector<128x384xf32>
    %max3A_852 = vector.broadcast %slice3A_837 : vector<128x1xf32> to vector<128x384xf32>
    %max3A_853 = vector.broadcast %slice3A_844 : vector<1x384xf32> to vector<128x384xf32>
    %max3A_854 = arith.maximumf %max3A_852, %max3A_853 : vector<128x384xf32>
    %sub3A_855 = arith.subf %min3A_851, %max3A_854 : vector<128x384xf32>
    %max3A_856 = arith.constant 0.000000e+00 : f32
    %max3A_857 = vector.broadcast %max3A_856 : f32 to vector<128x384xf32>
    %max3A_858 = arith.maximumf %sub3A_855, %max3A_857 : vector<128x384xf32>
    %min3A_859 = vector.broadcast %slice3A_840 : vector<128x1xf32> to vector<128x384xf32>
    %min3A_860 = vector.broadcast %slice3A_847 : vector<1x384xf32> to vector<128x384xf32>
    %min3A_861 = arith.minimumf %min3A_859, %min3A_860 : vector<128x384xf32>
    %max3A_862 = vector.broadcast %slice3A_838 : vector<128x1xf32> to vector<128x384xf32>
    %max3A_863 = vector.broadcast %slice3A_845 : vector<1x384xf32> to vector<128x384xf32>
    %max3A_864 = arith.maximumf %max3A_862, %max3A_863 : vector<128x384xf32>
    %sub3A_865 = arith.subf %min3A_861, %max3A_864 : vector<128x384xf32>
    %max3A_866 = arith.constant 0.000000e+00 : f32
    %max3A_867 = vector.broadcast %max3A_866 : f32 to vector<128x384xf32>
    %max3A_868 = arith.maximumf %sub3A_865, %max3A_867 : vector<128x384xf32>
    %mul3A_869 = arith.mulf %max3A_858, %max3A_868 : vector<128x384xf32>
    %add3A_870 = vector.broadcast %mul3A_843 : vector<128x1xf32> to vector<128x384xf32>
    %add3A_871 = vector.broadcast %slice3A_848 : vector<1x384xf32> to vector<128x384xf32>
    %add3A_872 = arith.addf %add3A_870, %add3A_871 : vector<128x384xf32>
    %sub3A_873 = arith.subf %add3A_872, %mul3A_869 : vector<128x384xf32>
    %max3A_874 = arith.constant 9.99999971E-10 : f32
    %max3A_875 = vector.broadcast %max3A_874 : f32 to vector<128x384xf32>
    %max3A_876 = arith.maximumf %sub3A_873, %max3A_875 : vector<128x384xf32>
    %div3A_877 = arith.divf %mul3A_869, %max3A_876 : vector<128x384xf32>
    %iota3A_878 = tpu.iota {dimensions = array<i32: 1>} : vector<1x384xi32>
    %iota3A_879 = tpu.iota {dimensions = array<i32: 0>} : vector<128x1xi32>
    %gt3A_880 = vector.broadcast %iota3A_878 : vector<1x384xi32> to vector<128x384xi32>
    %gt3A_881 = vector.broadcast %iota3A_879 : vector<128x1xi32> to vector<128x384xi32>
    %gt3A_882 = arith.cmpi sgt, %gt3A_880, %gt3A_881 : vector<128x384xi32>
    %gt3A_883 = arith.constant 0.699999988 : f32
    %gt3A_884 = vector.broadcast %gt3A_883 : f32 to vector<128x384xf32>
    %gt3A_885 = arith.cmpf ogt, %div3A_877, %gt3A_884 : vector<128x384xf32>
    %and3A_886 = arith.andi %gt3A_885, %gt3A_882 : vector<128x384xi1>
    %jit3A_887 = arith.constant 1.000000e+00 : f32
    %jit3A_888 = arith.constant 0.000000e+00 : f32
    %broadcast_in_dim3A_889 = vector.broadcast %jit3A_887 : f32 to vector<128x384xf32>
    %broadcast_in_dim3A_890 = vector.broadcast %jit3A_888 : f32 to vector<128x384xf32>
    %select_n3A_891 = arith.select %and3A_886, %broadcast_in_dim3A_889, %broadcast_in_dim3A_890 : vector<128x384xi1>, vector<128x384xf32>
    %convert_element_type3A_892 = arith.truncf %select_n3A_891 : vector<128x384xf32> to vector<128x384xbf16>
    %swap3A_893 = arith.constant 1664 : index
    %swap3A_894 = arith.constant 1664 : index
    %swap3A_895 = vector.load %arg4[%swap3A_893, %swap3A_894] : memref<2048x2048xbf16, #tpu.memory_space<vmem>>, vector<128x384xbf16>
    tpu.vector_store %arg4[%swap3A_893, %swap3A_894], %convert_element_type3A_892 {strides = array<i32>} : memref<2048x2048xbf16, #tpu.memory_space<vmem>>, vector<128x384xbf16>,
    %broadcast_in_dim3A_896 = arith.constant 0.000000e+00 : bf16
    %broadcast_in_dim3A_897 = vector.broadcast %broadcast_in_dim3A_896 : bf16 to vector<128x1664xbf16>
    %swap3A_898 = arith.constant 1664 : index
    %swap3A_899 = arith.constant 0 : index
    %swap3A_900 = vector.load %arg4[%swap3A_898, %swap3A_899] : memref<2048x2048xbf16, #tpu.memory_space<vmem>>, vector<128x1664xbf16>
    tpu.vector_store %arg4[%swap3A_898, %swap3A_899], %broadcast_in_dim3A_897 {strides = array<i32>} : memref<2048x2048xbf16, #tpu.memory_space<vmem>>, vector<128x1664xbf16>,
    %slice3A_901 = vector.extract_strided_slice %get3A_3 {offsets = [1792, 0], sizes = [128, 4], strides = [1, 1]} : vector<2048x4xf32> to vector<128x4xf32>
    %slice3A_902 = vector.extract_strided_slice %slice3A_901 {offsets = [0, 0], sizes = [128, 1], strides = [1, 1]} : vector<128x4xf32> to vector<128x1xf32>
    %slice3A_903 = vector.extract_strided_slice %slice3A_901 {offsets = [0, 1], sizes = [128, 1], strides = [1, 1]} : vector<128x4xf32> to vector<128x1xf32>
    %slice3A_904 = vector.extract_strided_slice %slice3A_901 {offsets = [0, 2], sizes = [128, 1], strides = [1, 1]} : vector<128x4xf32> to vector<128x1xf32>
    %slice3A_905 = vector.extract_strided_slice %slice3A_901 {offsets = [0, 3], sizes = [128, 1], strides = [1, 1]} : vector<128x4xf32> to vector<128x1xf32>
    %sub3A_906 = arith.subf %slice3A_904, %slice3A_902 : vector<128x1xf32>
    %sub3A_907 = arith.subf %slice3A_905, %slice3A_903 : vector<128x1xf32>
    %mul3A_908 = arith.mulf %sub3A_906, %sub3A_907 : vector<128x1xf32>
    %slice3A_909 = vector.extract_strided_slice %slice3A {offsets = [0, 1792], sizes = [1, 256], strides = [1, 1]} : vector<1x2048xf32> to vector<1x256xf32>
    %slice3A_910 = vector.extract_strided_slice %slice3A_9 {offsets = [0, 1792], sizes = [1, 256], strides = [1, 1]} : vector<1x2048xf32> to vector<1x256xf32>
    %slice3A_911 = vector.extract_strided_slice %slice3A_10 {offsets = [0, 1792], sizes = [1, 256], strides = [1, 1]} : vector<1x2048xf32> to vector<1x256xf32>
    %slice3A_912 = vector.extract_strided_slice %slice3A_11 {offsets = [0, 1792], sizes = [1, 256], strides = [1, 1]} : vector<1x2048xf32> to vector<1x256xf32>
    %slice3A_913 = vector.extract_strided_slice %mul3A {offsets = [0, 1792], sizes = [1, 256], strides = [1, 1]} : vector<1x2048xf32> to vector<1x256xf32>
    %min3A_914 = vector.broadcast %slice3A_904 : vector<128x1xf32> to vector<128x256xf32>
    %min3A_915 = vector.broadcast %slice3A_911 : vector<1x256xf32> to vector<128x256xf32>
    %min3A_916 = arith.minimumf %min3A_914, %min3A_915 : vector<128x256xf32>
    %max3A_917 = vector.broadcast %slice3A_902 : vector<128x1xf32> to vector<128x256xf32>
    %max3A_918 = vector.broadcast %slice3A_909 : vector<1x256xf32> to vector<128x256xf32>
    %max3A_919 = arith.maximumf %max3A_917, %max3A_918 : vector<128x256xf32>
    %sub3A_920 = arith.subf %min3A_916, %max3A_919 : vector<128x256xf32>
    %max3A_921 = arith.constant 0.000000e+00 : f32
    %max3A_922 = vector.broadcast %max3A_921 : f32 to vector<128x256xf32>
    %max3A_923 = arith.maximumf %sub3A_920, %max3A_922 : vector<128x256xf32>
    %min3A_924 = vector.broadcast %slice3A_905 : vector<128x1xf32> to vector<128x256xf32>
    %min3A_925 = vector.broadcast %slice3A_912 : vector<1x256xf32> to vector<128x256xf32>
    %min3A_926 = arith.minimumf %min3A_924, %min3A_925 : vector<128x256xf32>
    %max3A_927 = vector.broadcast %slice3A_903 : vector<128x1xf32> to vector<128x256xf32>
    %max3A_928 = vector.broadcast %slice3A_910 : vector<1x256xf32> to vector<128x256xf32>
    %max3A_929 = arith.maximumf %max3A_927, %max3A_928 : vector<128x256xf32>
    %sub3A_930 = arith.subf %min3A_926, %max3A_929 : vector<128x256xf32>
    %max3A_931 = arith.constant 0.000000e+00 : f32
    %max3A_932 = vector.broadcast %max3A_931 : f32 to vector<128x256xf32>
    %max3A_933 = arith.maximumf %sub3A_930, %max3A_932 : vector<128x256xf32>
    %mul3A_934 = arith.mulf %max3A_923, %max3A_933 : vector<128x256xf32>
    %add3A_935 = vector.broadcast %mul3A_908 : vector<128x1xf32> to vector<128x256xf32>
    %add3A_936 = vector.broadcast %slice3A_913 : vector<1x256xf32> to vector<128x256xf32>
    %add3A_937 = arith.addf %add3A_935, %add3A_936 : vector<128x256xf32>
    %sub3A_938 = arith.subf %add3A_937, %mul3A_934 : vector<128x256xf32>
    %max3A_939 = arith.constant 9.99999971E-10 : f32
    %max3A_940 = vector.broadcast %max3A_939 : f32 to vector<128x256xf32>
    %max3A_941 = arith.maximumf %sub3A_938, %max3A_940 : vector<128x256xf32>
    %div3A_942 = arith.divf %mul3A_934, %max3A_941 : vector<128x256xf32>
    %iota3A_943 = tpu.iota {dimensions = array<i32: 1>} : vector<1x256xi32>
    %iota3A_944 = tpu.iota {dimensions = array<i32: 0>} : vector<128x1xi32>
    %gt3A_945 = vector.broadcast %iota3A_943 : vector<1x256xi32> to vector<128x256xi32>
    %gt3A_946 = vector.broadcast %iota3A_944 : vector<128x1xi32> to vector<128x256xi32>
    %gt3A_947 = arith.cmpi sgt, %gt3A_945, %gt3A_946 : vector<128x256xi32>
    %gt3A_948 = arith.constant 0.699999988 : f32
    %gt3A_949 = vector.broadcast %gt3A_948 : f32 to vector<128x256xf32>
    %gt3A_950 = arith.cmpf ogt, %div3A_942, %gt3A_949 : vector<128x256xf32>
    %and3A_951 = arith.andi %gt3A_950, %gt3A_947 : vector<128x256xi1>
    %jit3A_952 = arith.constant 1.000000e+00 : f32
    %jit3A_953 = arith.constant 0.000000e+00 : f32
    %broadcast_in_dim3A_954 = vector.broadcast %jit3A_952 : f32 to vector<128x256xf32>
    %broadcast_in_dim3A_955 = vector.broadcast %jit3A_953 : f32 to vector<128x256xf32>
    %select_n3A_956 = arith.select %and3A_951, %broadcast_in_dim3A_954, %broadcast_in_dim3A_955 : vector<128x256xi1>, vector<128x256xf32>
    %convert_element_type3A_957 = arith.truncf %select_n3A_956 : vector<128x256xf32> to vector<128x256xbf16>
    %swap3A_958 = arith.constant 1792 : index
    %swap3A_959 = arith.constant 1792 : index
    %swap3A_960 = vector.load %arg4[%swap3A_958, %swap3A_959] : memref<2048x2048xbf16, #tpu.memory_space<vmem>>, vector<128x256xbf16>
    tpu.vector_store %arg4[%swap3A_958, %swap3A_959], %convert_element_type3A_957 {strides = array<i32>} : memref<2048x2048xbf16, #tpu.memory_space<vmem>>, vector<128x256xbf16>,
    %broadcast_in_dim3A_961 = arith.constant 0.000000e+00 : bf16
    %broadcast_in_dim3A_962 = vector.broadcast %broadcast_in_dim3A_961 : bf16 to vector<128x1792xbf16>
    %swap3A_963 = arith.constant 1792 : index
    %swap3A_964 = arith.constant 0 : index
    %swap3A_965 = vector.load %arg4[%swap3A_963, %swap3A_964] : memref<2048x2048xbf16, #tpu.memory_space<vmem>>, vector<128x1792xbf16>
    tpu.vector_store %arg4[%swap3A_963, %swap3A_964], %broadcast_in_dim3A_962 {strides = array<i32>} : memref<2048x2048xbf16, #tpu.memory_space<vmem>>, vector<128x1792xbf16>,
    %slice3A_966 = vector.extract_strided_slice %get3A_3 {offsets = [1920, 0], sizes = [128, 4], strides = [1, 1]} : vector<2048x4xf32> to vector<128x4xf32>
    %slice3A_967 = vector.extract_strided_slice %slice3A_966 {offsets = [0, 0], sizes = [128, 1], strides = [1, 1]} : vector<128x4xf32> to vector<128x1xf32>
    %slice3A_968 = vector.extract_strided_slice %slice3A_966 {offsets = [0, 1], sizes = [128, 1], strides = [1, 1]} : vector<128x4xf32> to vector<128x1xf32>
    %slice3A_969 = vector.extract_strided_slice %slice3A_966 {offsets = [0, 2], sizes = [128, 1], strides = [1, 1]} : vector<128x4xf32> to vector<128x1xf32>
    %slice3A_970 = vector.extract_strided_slice %slice3A_966 {offsets = [0, 3], sizes = [128, 1], strides = [1, 1]} : vector<128x4xf32> to vector<128x1xf32>
    %sub3A_971 = arith.subf %slice3A_969, %slice3A_967 : vector<128x1xf32>
    %sub3A_972 = arith.subf %slice3A_970, %slice3A_968 : vector<128x1xf32>
    %mul3A_973 = arith.mulf %sub3A_971, %sub3A_972 : vector<128x1xf32>
    %slice3A_974 = vector.extract_strided_slice %slice3A {offsets = [0, 1920], sizes = [1, 128], strides = [1, 1]} : vector<1x2048xf32> to vector<1x128xf32>
    %slice3A_975 = vector.extract_strided_slice %slice3A_9 {offsets = [0, 1920], sizes = [1, 128], strides = [1, 1]} : vector<1x2048xf32> to vector<1x128xf32>
    %slice3A_976 = vector.extract_strided_slice %slice3A_10 {offsets = [0, 1920], sizes = [1, 128], strides = [1, 1]} : vector<1x2048xf32> to vector<1x128xf32>
    %slice3A_977 = vector.extract_strided_slice %slice3A_11 {offsets = [0, 1920], sizes = [1, 128], strides = [1, 1]} : vector<1x2048xf32> to vector<1x128xf32>
    %slice3A_978 = vector.extract_strided_slice %mul3A {offsets = [0, 1920], sizes = [1, 128], strides = [1, 1]} : vector<1x2048xf32> to vector<1x128xf32>
    %min3A_979 = vector.broadcast %slice3A_969 : vector<128x1xf32> to vector<128x128xf32>
    %min3A_980 = vector.broadcast %slice3A_976 : vector<1x128xf32> to vector<128x128xf32>
    %min3A_981 = arith.minimumf %min3A_979, %min3A_980 : vector<128x128xf32>
    %max3A_982 = vector.broadcast %slice3A_967 : vector<128x1xf32> to vector<128x128xf32>
    %max3A_983 = vector.broadcast %slice3A_974 : vector<1x128xf32> to vector<128x128xf32>
    %max3A_984 = arith.maximumf %max3A_982, %max3A_983 : vector<128x128xf32>
    %sub3A_985 = arith.subf %min3A_981, %max3A_984 : vector<128x128xf32>
    %max3A_986 = arith.constant 0.000000e+00 : f32
    %max3A_987 = vector.broadcast %max3A_986 : f32 to vector<128x128xf32>
    %max3A_988 = arith.maximumf %sub3A_985, %max3A_987 : vector<128x128xf32>
    %min3A_989 = vector.broadcast %slice3A_970 : vector<128x1xf32> to vector<128x128xf32>
    %min3A_990 = vector.broadcast %slice3A_977 : vector<1x128xf32> to vector<128x128xf32>
    %min3A_991 = arith.minimumf %min3A_989, %min3A_990 : vector<128x128xf32>
    %max3A_992 = vector.broadcast %slice3A_968 : vector<128x1xf32> to vector<128x128xf32>
    %max3A_993 = vector.broadcast %slice3A_975 : vector<1x128xf32> to vector<128x128xf32>
    %max3A_994 = arith.maximumf %max3A_992, %max3A_993 : vector<128x128xf32>
    %sub3A_995 = arith.subf %min3A_991, %max3A_994 : vector<128x128xf32>
    %max3A_996 = arith.constant 0.000000e+00 : f32
    %max3A_997 = vector.broadcast %max3A_996 : f32 to vector<128x128xf32>
    %max3A_998 = arith.maximumf %sub3A_995, %max3A_997 : vector<128x128xf32>
    %mul3A_999 = arith.mulf %max3A_988, %max3A_998 : vector<128x128xf32>
    %add3A_1000 = vector.broadcast %mul3A_973 : vector<128x1xf32> to vector<128x128xf32>
    %add3A_1001 = vector.broadcast %slice3A_978 : vector<1x128xf32> to vector<128x128xf32>
    %add3A_1002 = arith.addf %add3A_1000, %add3A_1001 : vector<128x128xf32>
    %sub3A_1003 = arith.subf %add3A_1002, %mul3A_999 : vector<128x128xf32>
    %max3A_1004 = arith.constant 9.99999971E-10 : f32
    %max3A_1005 = vector.broadcast %max3A_1004 : f32 to vector<128x128xf32>
    %max3A_1006 = arith.maximumf %sub3A_1003, %max3A_1005 : vector<128x128xf32>
    %div3A_1007 = arith.divf %mul3A_999, %max3A_1006 : vector<128x128xf32>
    %iota3A_1008 = tpu.iota {dimensions = array<i32: 1>} : vector<1x128xi32>
    %iota3A_1009 = tpu.iota {dimensions = array<i32: 0>} : vector<128x1xi32>
    %gt3A_1010 = vector.broadcast %iota3A_1008 : vector<1x128xi32> to vector<128x128xi32>
    %gt3A_1011 = vector.broadcast %iota3A_1009 : vector<128x1xi32> to vector<128x128xi32>
    %gt3A_1012 = arith.cmpi sgt, %gt3A_1010, %gt3A_1011 : vector<128x128xi32>
    %gt3A_1013 = arith.constant 0.699999988 : f32
    %gt3A_1014 = vector.broadcast %gt3A_1013 : f32 to vector<128x128xf32>
    %gt3A_1015 = arith.cmpf ogt, %div3A_1007, %gt3A_1014 : vector<128x128xf32>
    %and3A_1016 = arith.andi %gt3A_1015, %gt3A_1012 : vector<128x128xi1>
    %jit3A_1017 = arith.constant 1.000000e+00 : f32
    %jit3A_1018 = arith.constant 0.000000e+00 : f32
    %broadcast_in_dim3A_1019 = vector.broadcast %jit3A_1017 : f32 to vector<128x128xf32>
    %broadcast_in_dim3A_1020 = vector.broadcast %jit3A_1018 : f32 to vector<128x128xf32>
    %select_n3A_1021 = arith.select %and3A_1016, %broadcast_in_dim3A_1019, %broadcast_in_dim3A_1020 : vector<128x128xi1>, vector<128x128xf32>
    %convert_element_type3A_1022 = arith.truncf %select_n3A_1021 : vector<128x128xf32> to vector<128x128xbf16>
    %swap3A_1023 = arith.constant 1920 : index
    %swap3A_1024 = arith.constant 1920 : index
    %swap3A_1025 = vector.load %arg4[%swap3A_1023, %swap3A_1024] : memref<2048x2048xbf16, #tpu.memory_space<vmem>>, vector<128x128xbf16>
    tpu.vector_store %arg4[%swap3A_1023, %swap3A_1024], %convert_element_type3A_1022 {strides = array<i32>} : memref<2048x2048xbf16, #tpu.memory_space<vmem>>, vector<128x128xbf16>,
    %broadcast_in_dim3A_1026 = arith.constant 0.000000e+00 : bf16
    %broadcast_in_dim3A_1027 = vector.broadcast %broadcast_in_dim3A_1026 : bf16 to vector<128x1920xbf16>
    %swap3A_1028 = arith.constant 1920 : index
    %swap3A_1029 = arith.constant 0 : index
    %swap3A_1030 = vector.load %arg4[%swap3A_1028, %swap3A_1029] : memref<2048x2048xbf16, #tpu.memory_space<vmem>>, vector<128x1920xbf16>
    tpu.vector_store %arg4[%swap3A_1028, %swap3A_1029], %broadcast_in_dim3A_1027 {strides = array<i32>} : memref<2048x2048xbf16, #tpu.memory_space<vmem>>, vector<128x1920xbf16>,
    %get3A_1031 = arith.constant 0 : index
    %get3A_1032 = arith.constant 0 : index
    %get3A_1033 = vector.load %arg4[%get3A_1031, %get3A_1032] : memref<2048x2048xbf16, #tpu.memory_space<vmem>>, vector<2048x2048xbf16>
    %broadcast_in_dim3A_1034 = arith.constant 1.000000e+00 : f32
    %broadcast_in_dim3A_1035 = vector.broadcast %broadcast_in_dim3A_1034 : f32 to vector<1x2048xf32>
    %while3A = arith.constant true
    %while3A_1036:2 = scf.while (%while3A_1043 = %broadcast_in_dim3A_1035, %while3A_1044 = %while3A) : (vector<1x2048xf32>, i1) -> (vector<1x2048xf32>, i1) {
      scf.condition(%while3A_1044) %while3A_1043, %while3A_1044 : vector<1x2048xf32>, i1
    } do {
    ^bb0(%while3A_1043: vector<1x2048xf32>, %while3A_1044: i1):
      %convert_element_type3A_1045 = arith.truncf %while3A_1043 : vector<1x2048xf32> to vector<1x2048xbf16>
      %dot_general3A = arith.constant dense<0.000000e+00> : vector<1x2048xf32>
      %dot_general3A_1046 = tpu.matmul %convert_element_type3A_1045, %get3A_1033, %dot_general3A {dimension_numbers = #tpu.dot_dimension_numbers<[1], [0], [0], [1], [0, 0, 1, 1], [], []>, transpose_lhs_hint = false} : vector<1x2048xbf16>, vector<2048x2048xbf16>, vector<1x2048xf32> -> vector<1x2048xf32>
      %gt3A_1047 = arith.constant 0.000000e+00 : f32
      %gt3A_1048 = vector.broadcast %gt3A_1047 : f32 to vector<1x2048xf32>
      %gt3A_1049 = arith.cmpf ogt, %dot_general3A_1046, %gt3A_1048 : vector<1x2048xf32>
      %jit3A_1050 = arith.constant 0.000000e+00 : f32
      %jit3A_1051 = arith.constant 1.000000e+00 : f32
      %broadcast_in_dim3A_1052 = vector.broadcast %jit3A_1050 : f32 to vector<1x2048xf32>
      %broadcast_in_dim3A_1053 = vector.broadcast %jit3A_1051 : f32 to vector<1x2048xf32>
      %select_n3A_1054 = arith.select %gt3A_1049, %broadcast_in_dim3A_1052, %broadcast_in_dim3A_1053 : vector<1x2048xi1>, vector<1x2048xf32>
      %sub3A_1055 = arith.subf %select_n3A_1054, %while3A_1043 : vector<1x2048xf32>
      %abs3A = math.absf %sub3A_1055 : vector<1x2048xf32>
      %reduce_max3A = vector.shape_cast %abs3A : vector<1x2048xf32> to vector<1x1x2048xf32>
      %reduce_max3A_1056 = arith.constant dense<0xFF800000> : vector<1xf32>
      %reduce_max3A_1057 = vector.multi_reduction <maximumf>, %reduce_max3A, %reduce_max3A_1056 [1, 2] : vector<1x1x2048xf32> to vector<1xf32>
      %reduce_max3A_1058 = vector.shape_cast %reduce_max3A_1057 : vector<1xf32> to vector<1x1x1xf32>
      %reduce_max3A_1059 = vector.extract %reduce_max3A_1058[0, 0, 0] : f32 from vector<1x1x1xf32>
      %gt3A_1060 = arith.constant 0.000000e+00 : f32
      %gt3A_1061 = arith.cmpf ogt, %reduce_max3A_1059, %gt3A_1060 : f32
      scf.yield %select_n3A_1054, %gt3A_1061 : vector<1x2048xf32>, i1
    }
    %swap3A_1037 = arith.constant 0 : index
    %swap3A_1038 = arith.constant 0 : index
    %swap3A_1039 = arith.constant 0 : index
    %swap3A_1040 = vector.load %arg3[%swap3A_1037, %swap3A_1038, %swap3A_1039] : memref<1x1x2048xf32, #tpu.memory_space<vmem>>, vector<1x1x2048xf32>
    %swap3A_1041 = vector.shape_cast %swap3A_1040 : vector<1x1x2048xf32> to vector<1x2048xf32>
    %swap3A_1042 = vector.shape_cast %while3A_1036#0 : vector<1x2048xf32> to vector<1x1x2048xf32>
    tpu.vector_store %arg3[%swap3A_1037, %swap3A_1038, %swap3A_1039], %swap3A_1042 {strides = array<i32>} : memref<1x1x2048xf32, #tpu.memory_space<vmem>>, vector<1x1x2048xf32>,
    return
  }
  func.func @transform_0(%arg0: i32) -> (i32, i32, i32) {
    %c0_i32 = arith.constant 0 : i32
    %c0_i32_0 = arith.constant 0 : i32
    %c0_i32_1 = arith.constant 0 : i32
    return %arg0, %c0_i32, %c0_i32_0 : i32, i32, i32
  }
  func.func @transform_1(%arg0: i32) -> (i32, i32, i32) {
    %c0_i32 = arith.constant 0 : i32
    %c0_i32_0 = arith.constant 0 : i32
    %c0_i32_1 = arith.constant 0 : i32
    return %arg0, %c0_i32, %c0_i32_0 : i32, i32, i32
  }
  func.func @transform_2(%arg0: i32) -> (i32, i32, i32) {
    %c0_i32 = arith.constant 0 : i32
    %c0_i32_0 = arith.constant 0 : i32
    %c0_i32_1 = arith.constant 0 : i32
    return %arg0, %c0_i32, %c0_i32_0 : i32, i32, i32
  }
}

</mosaic_0001>

<sc_bundles>
// kernel: gather_offload_async_start
scs
__scs_entry_jumppad:
0x0: {  	(pc) =	sbr.rel $0x88, $3  }
0x1: {  	(tag) =	ssettag $0x0;
	lr =	simm.s32 $0x1  }
0x2: {  	[smem:$0x3F9A] =	sst lr;
	_ =	strace $0xD0000000  }
0x3: {  	_ = 	snop  }
0x4: {  	_ = 	snop  }
0x5: {  	_ = 	snop  }
0x6: {  	_ = 	snop  }
0x7: {  	_ = 	snop  }
__scs_overlays_trampoline_lowered:
0x8: {  	[smem:$0x3FA9] =	sst s0  }
0x9: {  	[smem:$0x3FAA] =	sst s1  }
0xa: {  	[smem:$0x3FAB] =	sst s2  }
0xb: {  	[smem:$0x3FAC] =	sst s3  }
0xc: {  	[smem:$0x3FAD] =	sst s4  }
0xd: {  	[smem:$0x3FAE] =	sst s5  }
0xe: {  	[smem:$0x3FAF] =	sst s6  }
0xf: {  	[smem:$0x3FB0] =	sst s7  }
0x10: {  	[smem:$0x3FB1] =	sst s8  }
0x11: {  	[smem:$0x3FB2] =	sst s9;
	s0 =	simm.s32 @!p0 $0x0  }
0x12: {  	s1 =	sld [smem:$0x3F98];
	s0 =	simm.s32 @p0 $0x1  }
0x13: {  	[smem:$0x3FB3] =	sst s0;
	s0 =	simm.s32 @!p1 $0x0  }
0x14: {  	s2 =	sld [smem:$0x3F97];
	s0 =	simm.s32 @p1 $0x1  }
0x15: {  	[smem:$0x3FB4] =	sst s0;
	s0 =	simm.s32 @!p2 $0x0  }
0x16: {  	s3 =	sld [smem:$0x3FDB];
	s0 =	simm.s32 @p2 $0x1  }
0x17: {  	s4 =	simm.s32 $0x1BF5;
	[smem:$0x3FB6] =	sst s0  }
0x18: {  	s0 =	sld [smem:$0x3F99];
	_ =	swait.ge [sflag:s4], $0x0  }
0x19: {  	s7 =	sld [smem:$0x3F9A]  }
0x1a: {  	s8 =	sadd.s32 $0xFFFFE003, lr  }
0x1b: {  	s9 =	sadd.s32 $0xFFFFFEF7, lr;
	s5 =	simm.s32 $0xFFFFFFFF;
	p2 =	slt.u32 s8, $0xFFFFF086  }
0x1c: {  	p1 =	slt.u32 s9, $0xF7A;
	s5 =	simm.s32 @!p2 $0x0  }
0x1d: {  	s5 =	simm.s32 @p1 $0x1;
	p0 =	seq.s32 s7, s2  }
0x1e: {  	s7 =	smul.u32 @!p0 $0xF7A, s2;
	p2 =	seq.s32 @!p0 s5, $0x0  }
0x1f: {  	s9 =	smul.u32 $0xF7A, s1;
	s8 =	simm.s32 @!p0 $0x1BF5;
	p2 =	por !p2, p0  }
0x20: {  	[sflag:s8] =	ssyncset.s32 @!p0 $0xFFFFF086;
	s6 =	sadd.s32 @!p0 s3, s7;
	s7 =	simm.s32 @!p0 $0x108  }
0x21: {  	s3 =	sadd.s32 s3, s9;
	s6 =	sadd.s32 @!p0 $0x88, s6;
	s7 =	simm.s32 @p2 $0x1082  }
0x22: {  	[simem:s7], [sflag:s8] =	dma.local @!p0 [hbm:s6], $0xF7A  }
0x23: {  	s9 =	sor.u32 $0xD0000000, s2;
	s6 =	simm.s32 $0x108;
	_ =	swait.ge @!p0 [sflag:s8], $0x0  }
0x24: {  	s3 =	sadd.s32 $0x88, s3;
	s6 =	simm.s32 @!p1 $0x1082;
	[sflag:s4] =	ssyncset.s32 $0xFFFFF086  }
0x25: {  	[simem:s6], [sflag:s4] =	dma.local [hbm:s3], $0xF7A  }
0x26: {  	[smem:$0x3F9A] =	sst s1;
	(tag) =	ssettag s2;
	_ =	strace s9  }
0x27: {  	s1 =	sld [smem:$0x3FAA]  }
0x28: {  	s2 =	sld [smem:$0x3FAB]  }
0x29: {  	s4 =	sld [smem:$0x3FAD]  }
0x2a: {  	p0 =	seq.s32 s5, $0x0;
	s5 =	sld [smem:$0x3FAE]  }
0x2b: {  	s6 =	sld [smem:$0x3FAF]  }
0x2c: {  	s7 =	sld [smem:$0x3FB0]  }
0x2d: {  	s3 =	simm.s32 $0x108;
	s8 =	sld [smem:$0x3FB1]  }
0x2e: {  	s3 =	simm.s32 @!p0 $0x1082;
	s9 =	sld [smem:$0x3FB2]  }
0x2f: {  	lr =	sadd.s32 s0, s3;
	s0 =	sld [smem:$0x3FA9]  }
0x30: {  	s3 =	sld [smem:$0x3FAC]  }
0x31: {  	[smem:$0x3FB5] =	sst s10  }
0x32: {  	s10 =	sld [smem:$0x3FB3];
	_ =	sdelay $0x3  }
0x33: {  	p0 =	seq.s32 s10, $0x1;
	s10 =	sld [smem:$0x3FB5];
	_ =	sdelay $0x3  }
0x34: {  	[smem:$0x3FB5] =	sst s10  }
0x35: {  	s10 =	sld [smem:$0x3FB4];
	_ =	sdelay $0x3  }
0x36: {  	p1 =	seq.s32 s10, $0x1;
	s10 =	sld [smem:$0x3FB5];
	_ =	sdelay $0x3  }
0x37: {  	[smem:$0x3FB5] =	sst s10  }
0x38: {  	s10 =	sld [smem:$0x3FB6]  }
0x39: {  	_ = 	snop;
	(pc) =	sbr.ind lr, $3  }
0x3a: {  	_ = 	snop  }
0x3b: {  	_ = 	snop  }
0x3c: {  	p2 =	seq.s32 s10, $0x1;
	s10 =	sld [smem:$0x3FB5]  }
0x3d: {  	_ =	shalt  }
0x3e: {  	_ =	shalt  }
0x3f: {  	_ =	shalt  }
0x40: {  	_ =	shalt  }
0x41: {  	_ =	shalt  }
0x42: {  	_ =	shalt  }
0x43: {  	_ =	shalt  }
0x44: {  	_ =	shalt  }
0x45: {  	_ =	shalt  }
0x46: {  	_ =	shalt  }
0x47: {  	_ =	shalt  }
0x48: {  	_ =	shalt  }
0x49: {  	_ =	shalt  }
0x4a: {  	_ =	shalt  }
0x4b: {  	_ =	shalt  }
0x4c: {  	_ =	shalt  }
0x4d: {  	_ =	shalt  }
0x4e: {  	_ =	shalt  }
0x4f: {  	_ =	shalt  }
0x50: {  	_ =	shalt  }
0x51: {  	_ =	shalt  }
0x52: {  	_ =	shalt  }
0x53: {  	_ =	shalt  }
0x54: {  	_ =	shalt  }
0x55: {  	_ =	shalt  }
0x56: {  	_ =	shalt  }
0x57: {  	_ =	shalt  }
0x58: {  	_ =	shalt  }
0x59: {  	_ =	shalt  }
0x5a: {  	_ =	shalt  }
0x5b: {  	_ =	shalt  }
0x5c: {  	_ =	shalt  }
0x5d: {  	_ =	shalt  }
0x5e: {  	_ =	shalt  }
0x5f: {  	_ =	shalt  }
0x60: {  	_ =	shalt  }
0x61: {  	_ =	shalt  }
0x62: {  	_ =	shalt  }
0x63: {  	_ =	shalt  }
0x64: {  	_ =	shalt  }
0x65: {  	_ =	shalt  }
0x66: {  	_ =	shalt  }
0x67: {  	_ =	shalt  }
0x68: {  	_ =	shalt  }
0x69: {  	_ =	shalt  }
0x6a: {  	_ =	shalt  }
0x6b: {  	_ =	shalt  }
0x6c: {  	_ =	shalt  }
0x6d: {  	_ =	shalt  }
0x6e: {  	_ =	shalt  }
0x6f: {  	_ =	shalt  }
0x70: {  	_ =	shalt  }
0x71: {  	_ =	shalt  }
0x72: {  	_ =	shalt  }
0x73: {  	_ =	shalt  }
0x74: {  	_ =	shalt  }
0x75: {  	_ =	shalt  }
0x76: {  	_ =	shalt  }
0x77: {  	_ =	shalt  }
0x78: {  	_ =	shalt  }
0x79: {  	_ =	shalt  }
0x7a: {  	_ =	shalt  }
0x7b: {  	_ =	shalt  }
0x7c: {  	_ =	shalt  }
0x7d: {  	_ =	shalt  }
0x7e: {  	_ =	shalt  }
0x7f: {  	_ =	shalt  }
0x80: {  	_ =	shalt  }
0x81: {  	_ =	shalt  }
0x82: {  	_ =	shalt  }
0x83: {  	_ =	shalt  }
0x84: {  	_ =	shalt  }
0x85: {  	_ =	shalt  }
0x86: {  	_ =	shalt  }
0x87: {  	_ =	shalt  }
.Lfunc_end0:
.L_simem_size_0:
called_computation_lowered:
.L_overlay_start_0:
0x88: {  	s0 =	sld [smem:$0x3FD9]  }
0x89: {  	s1 =	sld [smem:$0x3FFE];
	_ =	sdelay $0x3  }
0x8a: {  	s0 =	sadd.s32 s1, s0  }
0x8b: {  	[smem:$0x3FC1] =	sst s0  }
0x8c: {  	_ = 	snop  }
0x8d: {  	s0 =	sld [smem:$0x3FD0];
	(tm) =	ssettm $0x1  }
0x8e: {  	s16 =	sld [smem:$0x3FFB];
	_ =	sdelay $0x3  }
0x8f: {  	_ =	strace s16  }
0x90: {  	s1 =	sld [smem:$0x3FFC];
	_ =	sdelay $0x3  }
0x91: {  	_ =	strace s1  }
0x92: {  	s1 =	sld [smem:$0x3FFD];
	_ =	sdelay $0x3  }
0x93: {  	_ =	strace s1  }
0x94: {  	_ =	strace $0x8FFFFFFF  }
0x95: {  	s17 =	sld [smem:$0x3FDB];
	_ =	sdelay $0x1  }
0x96: {  	s2 =	simm.s32 $_scs_section_size  }
0x97: {  	s3 =	simm.s32 $_size__tile_overlayer_lowered;
	s4 =	simm.s32 $_tile_overlayer_lowered  }
0x98: {  	s20 =	simm.s32 $0x1BFF;
	s19 =	sshll.u32 s4, $0x1;
	s1 =	sadd.s32 s2, s17  }
0x99: {  	s5 =	simm.s32 $0x0;
	s18 =	sshll.u32 s3, $0x1;
	s3 =	sadd.s32 s19, s1  }
0x9a: {  	[timem:s5], [sflag:s20] =	dma.local [hbm:s3], s18  }
0x9b: {  	_ =	swait.ge [sflag:s20], s18  }
0x9c: {  	s2 =	ssub.s32 $0x0, s18;
	[sflag:s20] =	ssyncset.done $0x0  }
0x9d: {  	[sflag:s20] =	ssyncadd.s32 s2;
	_ =	sdelay $0x1  }
0x9e: {  	s21 =	simm.s32 $0x1B8B  }
0x9f: {  	_ =	swait.ge [sflag:s21], $0x1  }
0xa0: {  	[sflag:s21] =	ssyncset.done $0x0  }
0xa1: {  	s23 =	simm.s32 $0x1B8E;
	s22 =	sld [smem:$0x3FFE];
	[sflag:s21] =	ssyncadd.s32 $0xFFFFFFFF  }
0xa2: {  	s24 =	simm.s32 $execute0_lowered;
	[smem:$0x3FD2] =	sst s23  }
0xa3: {  	s3 =	sshll.u32 s24, $0x1;
	_ =	strace $0x80000049;
	[dreg:$0x1] =	wrdreg $0xFFFFFFFF  }
0xa4: {  	s25 =	simm.s32 $_size_execute0_lowered;
	s1 =	sadd.s32 s1, s3;
	[dreg:$0x0] =	wrdreg $0x0  }
0xa5: {  	s3 =	sshll.u32 s25, $0x1;
	[dreg:$0x2] =	wrdreg s1  }
0xa6: {  	[dreg:$0x3] =	wrdreg s3  }
0xa7: {  	[dreg:$0x4] =	wrdreg $0xC0  }
0xa8: {  	_ =	task [dreg:s5], $0x5FFFF  }
0xa9: {  	[dreg:$0x1] =	wrdreg $0xFFFFFFFF  }
0xaa: {  	[dreg:$0x0] =	wrdreg $0x60  }
0xab: {  	[dreg:$0x2] =	wrdreg s22  }
0xac: {  	[dreg:$0x3] =	wrdreg s0  }
0xad: {  	[dreg:$0x4] =	wrdreg $0x9  }
0xae: {  	_ =	task.clear_ibuf [dreg:s5], $0x5FFFF;
	_ =	strace $0x90000049  }
0xaf: {  	s26 =	simm.s32 $0x9;
	_ =	strace $0x8000004B  }
0xb0: {  	_ =	swait.ge [sflag:s26], $0x1  }
0xb1: {  	[sflag:s26] =	ssyncadd.s32 $0xFFFFFFFF  }
0xb2: {  	_ =	strace $0x9000004B  }
0xb3: {  	_ =	sfence  }
0xb4: {  	s28 =	sld [smem:$0x0];
	_ =	sdelay $0x1  }
0xb5: {  	s29 =	srdreg.scid  }
0xb6: {  	s30 =	sshll.u32 s29, $0xD;
	s31 =	sshrl.u32 s29, $0x2  }
0xb7: {  	s2 =	sand.u32 $0x4000, s30;
	s1 =	sand.u32 $0x1, s29;
	s0 =	sadd.s32 s31, s28  }
0xb8: {  	s1 =	sor.u32 s2, s1;
	s0 =	sshll.u32 s0, $0x11  }
0xb9: {  	s0 =	sor.u32 s0, s1  }
0xba: {  	s0 =	sadd.s32 $0x8F2B, s0  }
0xbb: {  	[sflag:s0] =	ssyncadd.remote.s32 $0x1  }
0xbc: {  	_ =	sfence.sel $0xFFFF  }
0xbd: {  	[dreg:$0x0] =	wrdreg $0xFFFFFFFF;
	(pc) =	sbr.abs _section_cstart, $3  }
0xbe: {  	[dreg:$0x1] =	wrdreg $0xFFFFFFFF  }
0xbf: {  	_ =	task.clear_ibuf [dreg:s5], $0x2FFFF;
	_ =	strace $0x9FFFFFFF  }
0xc0: {  	(tm) =	ssettm $0x7FFFFFFF  }
0xc1: {  	_ =	shalt  }
tec
execute0_lowered:
.L_overlay_start_1:
0x0: {  	(tag) =	ssettag $0x1  }
0x1: {  	s0 =	stileid.u32  }
0x2: {  	s1 =	smin.u32 s0, $0x9  }
0x3: {  	s1 =	sadd.s32 s0, s1  }
0x4: {  	s2 =	simm.s32 $0xA0;
	p0 =	slt.u32 s0, $0x9;
	s1 =	smul.u32 $0x50, s1  }
0x5: {  	s2 =	simm.s32 @!p0 $0x50  }
0x6: {  	s2 =	sadd.s32 s2, s1  }
0x7: {  	s3 =	smin.u32 s2, $0x7D0  }
0x8: {  	s7 =	ssub.s32 s3, s1  }
0x9: {  	p0 =	sgt.s32 s7, $0x0  }
0xa: {  	s7 =	simm.s32 @!p0 $0x0  }
0xb: {  	s4 =	rddreg [dreg:$0x0];
	s31 =	smul.u32 $0xCCCD, s7  }
0xc: {  	s5 =	rddreg [dreg:$0x1]  }
0xd: {  	s6 =	simm.s32 $0x1;
	s10 =	simm.s32 $0x3;
	s8 =	sshrl.u32 s31, $0x16  }
0xe: {  	s13 =	simm.s32 $0x0;
	s12 =	simm.s32 $0x0;
	s9 =	smul.u32 $0x50, s8  }
.Ltmp0:
0xf: {  	s11 =	smov.u32 s1;
	s2 =	rddreg [dreg:$0x2];
	(pc) =	sbr.rel .LBB2_1-.Ltmp0, $4  }
0x10: {  	_ =	strace $0x8000004A;
	p0 =	sne.s32 s7, s9;
	s9 =	simm.s32 $0x1  }
0x11: {  	[sflag:s6] =	ssyncpa.u1 $0x0;
	s7 =	simm.s32 $0x2;
	s9 =	simm.s32 @!p0 $0x0  }
0x12: {  	[sflag:s7] =	ssyncpa.u1 $0x0;
	p0 =	por $0x0, $0x0;
	s8 =	sadd.s32 s8, s9  }
0x13: {  	v0 =	vimm.s32 $0x0;
	vm0 =	vmmov $0xff;
	vm1 =	vcmask $0x3F20;
	s9 =	sadd.s32 $0xFA00, s4;
	[sflag:s10] =	ssyncpa.u1 $0x0;
	s10 =	sadd.s32 $0x1, s8  }
.LBB2_6:
0x14: {  	[hbm:s17] =	stream.linear.scatter [tilespmem:s14], [sflag:$0x3], $0x400, $0x38;
	[tilespmem:$0x50A0] =	vst v63  }
.LBB2_7:
0x15: {  	s13 =	sadd.s32 $0x50, s11  }
0x16: {  	s15 =	smov.u32 s1;
	p2 =	slt.s32 s13, s3  }
0x17: {  	s15 =	smov.u32 @p2 s13;
	p2 =	sne.s32 s12, s10  }
.Ltmp1:
0x18: {  	p1 =	slt.u32 s12, $0x2;
	(pc) =	sbr.rel @!p2 .LBB2_8-.Ltmp1, $4  }
0x19: {  	s14 =	simm.s32 @!p1 $0x3  }
0x1a: {  	s16 =	sadd.s32 $0x1, s12;
	_ =	swait.ge @!p1 [sflag:s14], $0x2800  }
0x1b: {  	p0 =	por !p0, !p0;
	s13 =	smov.u32 s11;
	[sflag:s14] =	ssyncset.done @!p1 $0x0  }
0x1c: {  	s12 =	smov.u32 s16;
	s11 =	smov.u32 s15;
	[sflag:s14] =	ssyncadd.s32 @!p1 $0xFFFFD800  }
.LBB2_1:
0x1d: {  	p1 =	sge.u32 s12, s8  }
0x1e: {  	s14 =	sxor.u32 @!p1 $0xFFFFFFFF, s12  }
0x1f: {  	s14 =	sand.u32 @!p1 $0x1, s14  }
0x20: {  	s14 =	smul.u32 @!p1 $0x140, s14  }
0x21: {  	s31 =	sadd.s32 $0xFFFFFFFF, s12;
	s15 =	sshrl.u32 @!p1 s11, $0x3  }
0x22: {  	s16 =	sand.u32 @!p1 $0x7, s11;
	s15 =	sadd.s32 @!p1 s5, s15;
	s14 =	sshrl.u32 @!p1 s14, $0x2  }
0x23: {  	[tilespmem:s14], [sflag:$0x2] =	stream.linear.gather @!p1 [hbm4b:s15+s16], $0x50, $0x38;
	[tilespmem:$0x50A0] =	vst v63  }
0x24: {  	p1 =	sge.u32 s31, s8  }
.Ltmp2:
0x25: {  	_ = 	snop;
	(pc) =	sbr.rel @p1 .LBB2_7-.Ltmp2, $1  }
0x26: {  	_ =	sdelay $0x3  }
0x27: {  	s14 =	simm.s32 $0x1  }
0x28: {  	s14 =	simm.s32 @!p0 $0x0  }
0x29: {  	s15 =	smul.u32 $0x140, s14  }
0x2a: {  	_ =	swait.ge [sflag:s7], $0x50  }
0x2b: {  	[sflag:s7] =	ssyncset.done $0x0;
	s16 =	sshrl.u32 s15, $0x2  }
0x2c: {  	[sflag:s7] =	ssyncadd.s32 $0xFFFFFFB0;
	s15 =	sadd.s32 $0x0, s16  }
0x2d: {  	v1 =	vld.msk [tilespmem:s15+$0x0 ss:$0x1], $0xffff;
	_ =	sdelay $0x4  }
0x2e: {  	v2 =	vand.u32 $0x1, v1;
	v3 =	vshll.u32 v1, $0x6  }
0x2f: {  	vm2 =	veq.s32 v1, $0x80000000;
	vm3 =	veq.s32 v2, $0x1;
	v1 =	vand.u32 $0x3FF80, v3  }
0x30: {  	v2 =	vsel vm3, $0x3E800, v0;
	v1 =	vsel vm2, $0xFFFFFF80, v1  }
0x31: {  	v2 =	vsel vm2, $0xFFFC1800, v2;
	v3 =	vand.u32 $0xFFFFFC00, v1  }
0x32: {  	v1 =	vand.u32 $0x380, v1;
	v2 =	vadd.s32 v2, v3  }
0x33: {  	v1 =	vor.u32 v1, v2  }
0x34: {  	v1 =	vshrl.u32 v1, $0x3  }
0x35: {  	s14 =	smul.u32 $0xA000, s14;
	_ =	sdelay $0x1  }
0x36: {  	s14 =	sshrl.u32 s14, $0x2  }
0x37: {  	s14 =	sor.u32 $0xA0, s14  }
0x38: {  	[tilespmem:s14], [sflag:$0x1] =	stream.indirect_vreg.gather [hbm:s4], $0x80, v1, vm0, $0x38;
	[tilespmem:$0x50A0] =	vst v63  }
0x39: {  	s17 =	sadd.s32 $0x10, s16;
	s15 =	sadd.s32 $0x400, s14  }
0x3a: {  	[tilespmem:s15], [sflag:$0x1] =	stream.indirect_vreg.gather [hbm:s4], $0x80, v1, vm1, $0x38;
	[tilespmem:$0x50A0] =	vst v63  }
0x3b: {  	s18 =	simm.s32 $0x80;
	v1 =	vld.msk [tilespmem:s17+$0x0 ss:$0x1], $0xffff;
	s17 =	smov.u32 s14  }
.LBB2_3:
0x3c: {  	p1 =	sne.s32 s18, $0x100;
	_ =	sdelay $0x4  }
0x3d: {  	v2 =	vand.u32 $0x1, v1;
	v3 =	vshll.u32 v1, $0x6  }
0x3e: {  	vm2 =	veq.s32 v1, $0x80000000;
	vm3 =	veq.s32 v2, $0x1;
	v1 =	vand.u32 $0x3FF80, v3  }
0x3f: {  	v2 =	vsel vm3, $0x3E800, v0;
	v1 =	vsel vm2, $0xFFFFFF80, v1  }
0x40: {  	v2 =	vsel vm2, $0xFFFC1800, v2;
	v3 =	vand.u32 $0xFFFFFC00, v1  }
0x41: {  	v1 =	vand.u32 $0x380, v1;
	v2 =	vadd.s32 v2, v3  }
0x42: {  	v1 =	vor.u32 v1, v2  }
0x43: {  	v1 =	vshrl.u32 v1, $0x3;
	_ =	sdelay $0x3  }
.Ltmp3:
0x44: {  	s19 =	sshra.s32 s18, $0x2;
	s17 =	sadd.s32 $0x800, s17;
	(pc) =	sbr.rel @p1 .LBB2_3-.Ltmp3, $4  }
0x45: {  	[tilespmem:s17], [sflag:$0x1] =	stream.indirect_vreg.gather [hbm:s4], $0x80, v1, vm0, $0x38;
	[tilespmem:$0x50A0] =	vst v63  }
0x46: {  	s19 =	sadd.s32 s19, s16;
	s20 =	sadd.s32 $0x400, s17  }
0x47: {  	[tilespmem:s20], [sflag:$0x1] =	stream.indirect_vreg.gather [hbm:s4], $0x80, v1, vm1, $0x38;
	[tilespmem:$0x50A0] =	vst v63  }
0x48: {  	s18 =	sadd.s32 $0x40, s18;
	v1 =	vld.msk [tilespmem:s19+$0x0 ss:$0x1], $0xffff  }
0x49: {  	_ =	sdelay $0x3  }
0x4a: {  	v2 =	vand.u32 $0x1, v1;
	v3 =	vshll.u32 v1, $0x6  }
0x4b: {  	vm2 =	veq.s32 v1, $0x80000000;
	vm3 =	veq.s32 v2, $0x1;
	v1 =	vand.u32 $0x3FF80, v3  }
0x4c: {  	v2 =	vsel vm3, $0x3E800, v0;
	v1 =	vsel vm2, $0xFFFFFF80, v1  }
0x4d: {  	v2 =	vsel vm2, $0xFFFC1800, v2;
	v3 =	vand.u32 $0xFFFFFC00, v1  }
0x4e: {  	v1 =	vand.u32 $0x380, v1;
	v2 =	vadd.s32 v2, v3  }
0x4f: {  	v1 =	vor.u32 v1, v2  }
0x50: {  	v1 =	vshrl.u32 v1, $0x3;
	_ =	sdelay $0x3  }
0x51: {  	s16 =	sadd.s32 $0x800, s17  }
0x52: {  	[tilespmem:s16], [sflag:$0x1] =	stream.indirect_vreg.gather [hbm:s4], $0x80, v1, vm0, $0x38;
	[tilespmem:$0x50A0] =	vst v63  }
0x53: {  	s16 =	sadd.s32 $0x400, s16  }
0x54: {  	[tilespmem:s16], [sflag:$0x1] =	stream.indirect_vreg.gather [hbm:s4], $0x80, v1, vm1, $0x38;
	[tilespmem:$0x50A0] =	vst v63  }
0x55: {  	s13 =	sshll.u32 s13, $0x4;
	_ =	swait.ge [sflag:s6], $0x2800  }
0x56: {  	s13 =	sadd.s32 s13, s9;
	[sflag:s6] =	ssyncset.done $0x0  }
0x57: {  	s17 =	sadd.s32 $0x0, s13;
	s16 =	simm.s32 $0x80;
	[sflag:s6] =	ssyncadd.s32 $0xFFFFD800  }
.LBB2_5:
0x58: {  	[hbm:s17] =	stream.linear.scatter [tilespmem:s14], [sflag:$0x3], $0x400, $0x38;
	[tilespmem:$0x50A0] =	vst v63  }
0x59: {  	s17 =	smov.u32 s16;
	s14 =	smov.u32 s15;
	p1 =	sne.s32 s16, $0x480  }
.Ltmp4:
0x5a: {  	s16 =	sadd.s32 $0x80, s16;
	(pc) =	sbr.rel @p1 .LBB2_5-.Ltmp4, $2  }
0x5b: {  	_ =	sdelay $0x2  }
0x5c: {  	s15 =	sadd.s32 $0x400, s15;
	s17 =	sadd.s32 s17, s13  }
.Ltmp5:
0x5d: {  	_ = 	snop;
	(pc) =	sbr.rel .LBB2_6-.Ltmp5, $1  }
0x5e: {  	_ =	sdelay $0x3  }
.LBB2_8:
0x5f: {  	_ =	sfence.sel $0x180000  }
0x60: {  	s1 =	simm.s32 $0x2;
	[bflag:$0x0] =	sbarrier.arrive $0xFFFF  }
0x61: {  	s30 =	simm.s32 $0x3;
	[sflag:s1] =	ssyncpa.u1 $0x1  }
0x62: {  	s31 =	simm.s32 $0x1;
	[sflag:s30] =	ssyncpa.u1 $0x1  }
0x63: {  	[sflag:s31] =	ssyncpa.u1 $0x1  }
0x64: {  	p0 =	sne.s32 s0, $0x0;
	_ =	strace $0x9000004A  }
0x65: {  	s0 =	sadd.s32 @!p0 $0x100000, s2;
	[bflag:$0x2] =	sbarrier.arrive $0xFFFF  }
0x66: {  	[sflag:s0] =	ssyncadd.tile.s32 @!p0 $0x1;
	_ =	shalt  }
.Lfunc_end2:
_tile_overlayer_lowered:
.L_overlay_start_2:
0x67: {  	(tag) =	ssettag $0x2  }
0x68: {  	s0 =	rddreg [dreg:$0x0];
	s2 =	stileid.u32  }
0x69: {  	s1 =	rddreg [dreg:$0x1];
	p0 =	sne.s32 s2, $0x0  }
0x6a: {  	s3 =	rddreg [dreg:$0x2];
	[bflag:$0x3] =	sbarrier.arrive $0xFFFF;
	s2 =	simm.s32 @!p0 $0x1C01  }
0x6b: {  	[timem:s3], [sflag:s2] =	dma.local @!p0 [hbm:s0], s1  }
0x6c: {  	s0 =	simm.s32 @!p0 $0x1  }
0x6d: {  	_ =	swait.ge @!p0 [sflag:s0], s1  }
0x6e: {  	s1 =	ssub.s32 @!p0 $0x0, s1;
	[sflag:s0] =	ssyncset.done @!p0 $0x0  }
0x6f: {  	[sflag:s0] =	ssyncadd.s32 @!p0 s1  }
0x70: {  	[bflag:$0x3] =	sbarrier.arrive $0xFFFF  }
0x71: {  	_ =	shalt  }

// kernel: kernel.4.cloned.1.call-start
scs
__scs_entry_jumppad:
0x0: {  	(pc) =	sbr.rel $0x88, $3  }
0x1: {  	(tag) =	ssettag $0x0;
	lr =	simm.s32 $0x1  }
0x2: {  	[smem:$0x3F9A] =	sst lr;
	_ =	strace $0xD0000000  }
0x3: {  	_ = 	snop  }
0x4: {  	_ = 	snop  }
0x5: {  	_ = 	snop  }
0x6: {  	_ = 	snop  }
0x7: {  	_ = 	snop  }
__scs_overlays_trampoline_lowered:
0x8: {  	[smem:$0x3FA9] =	sst s0  }
0x9: {  	[smem:$0x3FAA] =	sst s1  }
0xa: {  	[smem:$0x3FAB] =	sst s2  }
0xb: {  	[smem:$0x3FAC] =	sst s3  }
0xc: {  	[smem:$0x3FAD] =	sst s4  }
0xd: {  	[smem:$0x3FAE] =	sst s5  }
0xe: {  	[smem:$0x3FAF] =	sst s6  }
0xf: {  	[smem:$0x3FB0] =	sst s7  }
0x10: {  	[smem:$0x3FB1] =	sst s8  }
0x11: {  	[smem:$0x3FB2] =	sst s9;
	s0 =	simm.s32 @!p0 $0x0  }
0x12: {  	s1 =	sld [smem:$0x3F98];
	s0 =	simm.s32 @p0 $0x1  }
0x13: {  	[smem:$0x3FB3] =	sst s0;
	s0 =	simm.s32 @!p1 $0x0  }
0x14: {  	s2 =	sld [smem:$0x3F97];
	s0 =	simm.s32 @p1 $0x1  }
0x15: {  	[smem:$0x3FB4] =	sst s0;
	s0 =	simm.s32 @!p2 $0x0  }
0x16: {  	s3 =	sld [smem:$0x3FDB];
	s0 =	simm.s32 @p2 $0x1  }
0x17: {  	s4 =	simm.s32 $0x1BF5;
	[smem:$0x3FB6] =	sst s0  }
0x18: {  	s0 =	sld [smem:$0x3F99];
	_ =	swait.ge [sflag:s4], $0x0  }
0x19: {  	s7 =	sld [smem:$0x3F9A]  }
0x1a: {  	s8 =	sadd.s32 $0xFFFFE003, lr  }
0x1b: {  	s9 =	sadd.s32 $0xFFFFFEF7, lr;
	s5 =	simm.s32 $0xFFFFFFFF;
	p2 =	slt.u32 s8, $0xFFFFF086  }
0x1c: {  	p1 =	slt.u32 s9, $0xF7A;
	s5 =	simm.s32 @!p2 $0x0  }
0x1d: {  	s5 =	simm.s32 @p1 $0x1;
	p0 =	seq.s32 s7, s2  }
0x1e: {  	s7 =	smul.u32 @!p0 $0xF7A, s2;
	p2 =	seq.s32 @!p0 s5, $0x0  }
0x1f: {  	s9 =	smul.u32 $0xF7A, s1;
	s8 =	simm.s32 @!p0 $0x1BF5;
	p2 =	por !p2, p0  }
0x20: {  	[sflag:s8] =	ssyncset.s32 @!p0 $0xFFFFF086;
	s6 =	sadd.s32 @!p0 s3, s7;
	s7 =	simm.s32 @!p0 $0x108  }
0x21: {  	s3 =	sadd.s32 s3, s9;
	s6 =	sadd.s32 @!p0 $0x88, s6;
	s7 =	simm.s32 @p2 $0x1082  }
0x22: {  	[simem:s7], [sflag:s8] =	dma.local @!p0 [hbm:s6], $0xF7A  }
0x23: {  	s9 =	sor.u32 $0xD0000000, s2;
	s6 =	simm.s32 $0x108;
	_ =	swait.ge @!p0 [sflag:s8], $0x0  }
0x24: {  	s3 =	sadd.s32 $0x88, s3;
	s6 =	simm.s32 @!p1 $0x1082;
	[sflag:s4] =	ssyncset.s32 $0xFFFFF086  }
0x25: {  	[simem:s6], [sflag:s4] =	dma.local [hbm:s3], $0xF7A  }
0x26: {  	[smem:$0x3F9A] =	sst s1;
	(tag) =	ssettag s2;
	_ =	strace s9  }
0x27: {  	s1 =	sld [smem:$0x3FAA]  }
0x28: {  	s2 =	sld [smem:$0x3FAB]  }
0x29: {  	s4 =	sld [smem:$0x3FAD]  }
0x2a: {  	p0 =	seq.s32 s5, $0x0;
	s5 =	sld [smem:$0x3FAE]  }
0x2b: {  	s6 =	sld [smem:$0x3FAF]  }
0x2c: {  	s7 =	sld [smem:$0x3FB0]  }
0x2d: {  	s3 =	simm.s32 $0x108;
	s8 =	sld [smem:$0x3FB1]  }
0x2e: {  	s3 =	simm.s32 @!p0 $0x1082;
	s9 =	sld [smem:$0x3FB2]  }
0x2f: {  	lr =	sadd.s32 s0, s3;
	s0 =	sld [smem:$0x3FA9]  }
0x30: {  	s3 =	sld [smem:$0x3FAC]  }
0x31: {  	[smem:$0x3FB5] =	sst s10  }
0x32: {  	s10 =	sld [smem:$0x3FB3];
	_ =	sdelay $0x3  }
0x33: {  	p0 =	seq.s32 s10, $0x1;
	s10 =	sld [smem:$0x3FB5];
	_ =	sdelay $0x3  }
0x34: {  	[smem:$0x3FB5] =	sst s10  }
0x35: {  	s10 =	sld [smem:$0x3FB4];
	_ =	sdelay $0x3  }
0x36: {  	p1 =	seq.s32 s10, $0x1;
	s10 =	sld [smem:$0x3FB5];
	_ =	sdelay $0x3  }
0x37: {  	[smem:$0x3FB5] =	sst s10  }
0x38: {  	s10 =	sld [smem:$0x3FB6]  }
0x39: {  	_ = 	snop;
	(pc) =	sbr.ind lr, $3  }
0x3a: {  	_ = 	snop  }
0x3b: {  	_ = 	snop  }
0x3c: {  	p2 =	seq.s32 s10, $0x1;
	s10 =	sld [smem:$0x3FB5]  }
0x3d: {  	_ =	shalt  }
0x3e: {  	_ =	shalt  }
0x3f: {  	_ =	shalt  }
0x40: {  	_ =	shalt  }
0x41: {  	_ =	shalt  }
0x42: {  	_ =	shalt  }
0x43: {  	_ =	shalt  }
0x44: {  	_ =	shalt  }
0x45: {  	_ =	shalt  }
0x46: {  	_ =	shalt  }
0x47: {  	_ =	shalt  }
0x48: {  	_ =	shalt  }
0x49: {  	_ =	shalt  }
0x4a: {  	_ =	shalt  }
0x4b: {  	_ =	shalt  }
0x4c: {  	_ =	shalt  }
0x4d: {  	_ =	shalt  }
0x4e: {  	_ =	shalt  }
0x4f: {  	_ =	shalt  }
0x50: {  	_ =	shalt  }
0x51: {  	_ =	shalt  }
0x52: {  	_ =	shalt  }
0x53: {  	_ =	shalt  }
0x54: {  	_ =	shalt  }
0x55: {  	_ =	shalt  }
0x56: {  	_ =	shalt  }
0x57: {  	_ =	shalt  }
0x58: {  	_ =	shalt  }
0x59: {  	_ =	shalt  }
0x5a: {  	_ =	shalt  }
0x5b: {  	_ =	shalt  }
0x5c: {  	_ =	shalt  }
0x5d: {  	_ =	shalt  }
0x5e: {  	_ =	shalt  }
0x5f: {  	_ =	shalt  }
0x60: {  	_ =	shalt  }
0x61: {  	_ =	shalt  }
0x62: {  	_ =	shalt  }
0x63: {  	_ =	shalt  }
0x64: {  	_ =	shalt  }
0x65: {  	_ =	shalt  }
0x66: {  	_ =	shalt  }
0x67: {  	_ =	shalt  }
0x68: {  	_ =	shalt  }
0x69: {  	_ =	shalt  }
0x6a: {  	_ =	shalt  }
0x6b: {  	_ =	shalt  }
0x6c: {  	_ =	shalt  }
0x6d: {  	_ =	shalt  }
0x6e: {  	_ =	shalt  }
0x6f: {  	_ =	shalt  }
0x70: {  	_ =	shalt  }
0x71: {  	_ =	shalt  }
0x72: {  	_ =	shalt  }
0x73: {  	_ =	shalt  }
0x74: {  	_ =	shalt  }
0x75: {  	_ =	shalt  }
0x76: {  	_ =	shalt  }
0x77: {  	_ =	shalt  }
0x78: {  	_ =	shalt  }
0x79: {  	_ =	shalt  }
0x7a: {  	_ =	shalt  }
0x7b: {  	_ =	shalt  }
0x7c: {  	_ =	shalt  }
0x7d: {  	_ =	shalt  }
0x7e: {  	_ =	shalt  }
0x7f: {  	_ =	shalt  }
0x80: {  	_ =	shalt  }
0x81: {  	_ =	shalt  }
0x82: {  	_ =	shalt  }
0x83: {  	_ =	shalt  }
0x84: {  	_ =	shalt  }
0x85: {  	_ =	shalt  }
0x86: {  	_ =	shalt  }
0x87: {  	_ =	shalt  }
.Lfunc_end0:
.L_simem_size_0:
called_computation.1_lowered:
.L_overlay_start_0:
0x88: {  	s2 =	sld [smem:$0x3FD9]  }
0x89: {  	s3 =	sld [smem:$0x3FFE];
	_ =	sdelay $0x1  }
0x8a: {  	s1 =	srdreg.scid  }
0x8b: {  	s0 =	sand.u32 $0x1, s1  }
0x8c: {  	s17 =	sshll.u32 s0, $0xA;
	s2 =	sadd.s32 s3, s2  }
0x8d: {  	s2 =	sadd.s32 s2, s17  }
0x8e: {  	[smem:$0x3FC1] =	sst s2  }
0x8f: {  	_ = 	snop  }
0x90: {  	s2 =	sld [smem:$0x3FD0];
	(tm) =	ssettm $0x1  }
0x91: {  	s18 =	sld [smem:$0x3FFB];
	_ =	sdelay $0x3  }
0x92: {  	_ =	strace s18  }
0x93: {  	s3 =	sld [smem:$0x3FFC];
	_ =	sdelay $0x3  }
0x94: {  	_ =	strace s3  }
0x95: {  	s3 =	sld [smem:$0x3FFD];
	_ =	sdelay $0x3  }
0x96: {  	_ =	strace s3  }
0x97: {  	_ =	strace $0x8FFFFFFF  }
0x98: {  	s19 =	sld [smem:$0x3FDB];
	_ =	sdelay $0x1  }
0x99: {  	s4 =	simm.s32 $_scs_section_size  }
0x9a: {  	s5 =	simm.s32 $_size__tile_overlayer_lowered;
	s6 =	simm.s32 $_tile_overlayer_lowered  }
0x9b: {  	s22 =	simm.s32 $0x1BFF;
	s21 =	sshll.u32 s6, $0x1;
	s3 =	sadd.s32 s4, s19  }
0x9c: {  	s7 =	simm.s32 $0x0;
	s20 =	sshll.u32 s5, $0x1;
	s5 =	sadd.s32 s21, s3  }
0x9d: {  	[timem:s7], [sflag:s22] =	dma.local [hbm:s5], s20  }
0x9e: {  	_ =	swait.ge [sflag:s22], s20  }
0x9f: {  	s4 =	ssub.s32 $0x0, s20;
	[sflag:s22] =	ssyncset.done $0x0  }
0xa0: {  	[sflag:s22] =	ssyncadd.s32 s4;
	_ =	sdelay $0x1  }
0xa1: {  	s23 =	simm.s32 $0x1B8B  }
0xa2: {  	_ =	swait.ge [sflag:s23], $0x1  }
0xa3: {  	[sflag:s23] =	ssyncset.done $0x0  }
0xa4: {  	s25 =	simm.s32 $0x1B8E;
	s24 =	sld [smem:$0x3FFE];
	[sflag:s23] =	ssyncadd.s32 $0xFFFFFFFF  }
0xa5: {  	s26 =	simm.s32 $execute0_lowered;
	[smem:$0x3FD2] =	sst s25  }
0xa6: {  	s5 =	sshll.u32 s26, $0x1;
	_ =	strace $0x80000046;
	[dreg:$0x1] =	wrdreg $0xFFFFFFFF  }
0xa7: {  	s28 =	simm.s32 $_size_execute0_lowered;
	s3 =	sadd.s32 s3, s5;
	[dreg:$0x0] =	wrdreg $0x0  }
0xa8: {  	s5 =	sshll.u32 s28, $0x1;
	[dreg:$0x2] =	wrdreg s3  }
0xa9: {  	[dreg:$0x3] =	wrdreg s5  }
0xaa: {  	[dreg:$0x4] =	wrdreg $0xC0  }
0xab: {  	_ =	task [dreg:s7], $0x5FFFF  }
0xac: {  	[dreg:$0x1] =	wrdreg $0xFFFFFFFF  }
0xad: {  	[dreg:$0x0] =	wrdreg $0x60  }
0xae: {  	[dreg:$0x2] =	wrdreg s24  }
0xaf: {  	[dreg:$0x3] =	wrdreg s2  }
0xb0: {  	[dreg:$0x4] =	wrdreg $0x9  }
0xb1: {  	_ =	task.clear_ibuf [dreg:s7], $0x5FFFF;
	_ =	strace $0x90000046  }
0xb2: {  	s29 =	simm.s32 $0x9;
	_ =	strace $0x80000048  }
0xb3: {  	_ =	swait.ge [sflag:s29], $0x1  }
0xb4: {  	[sflag:s29] =	ssyncadd.s32 $0xFFFFFFFF  }
0xb5: {  	_ =	strace $0x90000048  }
0xb6: {  	_ =	sfence  }
0xb7: {  	s30 =	sld [smem:$0x0];
	_ =	sdelay $0x2  }
0xb8: {  	s31 =	sshll.u32 s1, $0xD;
	s1 =	sshrl.u32 s1, $0x2  }
0xb9: {  	s3 =	sand.u32 $0x4000, s31;
	s1 =	sadd.s32 s1, s30  }
0xba: {  	s0 =	sor.u32 s3, s0;
	s1 =	sshll.u32 s1, $0x11  }
0xbb: {  	s0 =	sor.u32 s1, s0  }
0xbc: {  	s0 =	sadd.s32 $0x8F2B, s0  }
0xbd: {  	[sflag:s0] =	ssyncadd.remote.s32 $0x1  }
0xbe: {  	_ =	sfence.sel $0xFFFF  }
0xbf: {  	[dreg:$0x0] =	wrdreg $0xFFFFFFFF;
	(pc) =	sbr.abs _section_cstart, $3  }
0xc0: {  	[dreg:$0x1] =	wrdreg $0xFFFFFFFF  }
0xc1: {  	_ =	task.clear_ibuf [dreg:s7], $0x2FFFF;
	_ =	strace $0x9FFFFFFF  }
0xc2: {  	(tm) =	ssettm $0x7FFFFFFF  }
0xc3: {  	_ =	shalt  }
tec
execute0_lowered:
.L_overlay_start_1:
0x0: {  	(tag) =	ssettag $0x1  }
0x1: {  	s1 =	srdreg.scid;
	s2 =	rddreg [dreg:$0x0]  }
0x2: {  	s0 =	stileid.u32;
	s4 =	rddreg [dreg:$0x1];
	s6 =	sand.u32 $0x1, s1  }
0x3: {  	s3 =	simm.s32 $0x0;
	s5 =	sshll.u32 s0, $0x8;
	s7 =	sshll.u32 s6, $0x7  }
0x4: {  	[smem:$0x7FF] =	sst s3;
	s8 =	sor.u32 s7, s5  }
0x5: {  	s1 =	rddreg [dreg:$0x2];
	_ =	strace $0x80000047;
	s5 =	sshrl.u32 s8, $0x3  }
0x6: {  	s9 =	ssub.s32 $0x2, s6;
	s5 =	sadd.s32 s4, s5;
	s4 =	simm.s32 $0x2  }
0x7: {  	[tilespmem:s3], [sflag:$0x2] =	stream.linear.gather [hbm4b:s5+s3], $0x80, $0x38;
	[tilespmem:$0x4080] =	vst v63  }
0x8: {  	s10 =	sshrl.u32 s9, $0x1;
	_ =	swait.ge [sflag:s4], $0x80  }
0x9: {  	s6 =	simm.s32 $0x80;
	s9 =	ssub.s32 s9, s10;
	[sflag:s4] =	ssyncset.done $0x0  }
0xa: {  	s7 =	simm.s32 $0x1;
	s9 =	smax.u32 s9, $0x1;
	[sflag:s4] =	ssyncadd.s32 $0xFFFFFF80  }
0xb: {  	[tilespmem:s6], [sflag:$0x1] =	stream.indirect.gather [hbm4b:s2+s6], $0x80, s3, s6, $0xb8;
	[tilespmem:$0x4080] =	vst v63  }
0xc: {  	s8 =	sshll.u32 s8, $0x4;
	p0 =	sne.s32 s9, $0x1;
	_ =	swait.ge [sflag:s7], $0x4000  }
.Ltmp0:
0xd: {  	s8 =	sadd.s32 s8, s2;
	[sflag:s7] =	ssyncset.done $0x0;
	(pc) =	sbr.rel @!p0 .LBB2_2-.Ltmp0, $4  }
0xe: {  	s8 =	sadd.s32 $0x3C000, s8;
	[sflag:s7] =	ssyncadd.s32 $0xFFFFC000  }
0xf: {  	[hbm4b:s8+s3] =	stream.linear.scatter [tilespmem:s6], [sflag:$0x2], $0x4000, $0x38;
	[tilespmem:$0x4080] =	vst v63  }
0x10: {  	_ =	swait.ge [sflag:s4], $0x4000  }
0x11: {  	s9 =	sadd.s32 $0xFFFFFFFF, s9;
	[sflag:s4] =	ssyncset.done $0x0  }
.LBB2_1:
0x12: {  	p0 =	sne.s32 s9, $0x1;
	s9 =	sadd.s32 $0xFFFFFFFF, s9;
	[sflag:s4] =	ssyncadd.s32 $0xFFFFC000  }
0x13: {  	[tilespmem:s3], [sflag:$0x2] =	stream.linear.gather [hbm4b:s5+s3], $0x80, $0x38;
	[tilespmem:$0x4080] =	vst v63  }
0x14: {  	_ =	swait.ge [sflag:s4], $0x80  }
0x15: {  	[sflag:s4] =	ssyncset.done $0x0  }
0x16: {  	[sflag:s4] =	ssyncadd.s32 $0xFFFFFF80  }
0x17: {  	[tilespmem:s6], [sflag:$0x1] =	stream.indirect.gather [hbm4b:s2+s6], $0x80, s3, s6, $0xb8;
	[tilespmem:$0x4080] =	vst v63  }
0x18: {  	_ =	swait.ge [sflag:s7], $0x4000  }
.Ltmp1:
0x19: {  	[sflag:s7] =	ssyncset.done $0x0;
	(pc) =	sbr.rel @p0 .LBB2_1-.Ltmp1, $4  }
0x1a: {  	[sflag:s7] =	ssyncadd.s32 $0xFFFFC000  }
0x1b: {  	[hbm4b:s8+s3] =	stream.linear.scatter [tilespmem:s6], [sflag:$0x2], $0x4000, $0x38;
	[tilespmem:$0x4080] =	vst v63  }
0x1c: {  	_ =	swait.ge [sflag:s4], $0x4000  }
0x1d: {  	[sflag:s4] =	ssyncset.done $0x0  }
.LBB2_2:
0x1e: {  	[sflag:s4] =	ssyncadd.s32 $0xFFFFC000  }
0x1f: {  	_ =	sfence.sel $0x180000  }
0x20: {  	[bflag:$0x0] =	sbarrier.arrive $0xFFFF  }
0x21: {  	p0 =	sne.s32 s0, $0x0;
	_ =	strace $0x90000047  }
0x22: {  	s0 =	sadd.s32 @!p0 $0x100000, s1;
	[bflag:$0x2] =	sbarrier.arrive $0xFFFF  }
0x23: {  	[sflag:s0] =	ssyncadd.tile.s32 @!p0 $0x1;
	_ =	shalt  }
.Lfunc_end2:
_tile_overlayer_lowered:
.L_overlay_start_2:
0x24: {  	(tag) =	ssettag $0x2  }
0x25: {  	s0 =	rddreg [dreg:$0x0];
	s2 =	stileid.u32  }
0x26: {  	s1 =	rddreg [dreg:$0x1];
	p0 =	sne.s32 s2, $0x0  }
0x27: {  	s3 =	rddreg [dreg:$0x2];
	[bflag:$0x3] =	sbarrier.arrive $0xFFFF;
	s2 =	simm.s32 @!p0 $0x1C02  }
0x28: {  	[timem:s3], [sflag:s2] =	dma.local @!p0 [hbm:s0], s1  }
0x29: {  	s0 =	simm.s32 @!p0 $0x2  }
0x2a: {  	_ =	swait.ge @!p0 [sflag:s0], s1  }
0x2b: {  	s1 =	ssub.s32 @!p0 $0x0, s1;
	[sflag:s0] =	ssyncset.done @!p0 $0x0  }
0x2c: {  	[sflag:s0] =	ssyncadd.s32 @!p0 s1  }
0x2d: {  	[bflag:$0x3] =	sbarrier.arrive $0xFFFF  }
0x2e: {  	_ =	shalt  }

</sc_bundles>
